<compile_context>
chip_gen: v7x
topology: tpu7x:2x2x1
jax: 0.10.2.dev20260603
libtpu: 0.0.44.dev20260713+nightly
codegen_flags: <defaults>
</compile_context>

<pallas_src>
import functools

import jax
import jax.numpy as jnp
from jax import lax
from jax.experimental import pallas as pl
from jax.experimental.pallas import tpu as pltpu
from jax.experimental.pallas import tpu_sc as plsc

_NUM_ANCHORS = 9
_PRE = 6000
_POST = 300
_THRESH = 0.7
_B = 128
_NB = 48
_NPAD = _NB * _B
_SEL = 320
_NTR = 20736


def _nms_kernel(x1_ref, y1_ref, x2_ref, y2_ref, area_ref, pos_ref, keep_ref):
  f32 = jnp.float32
  ri = lax.broadcasted_iota(jnp.int32, (_NB, _B), 0)
  ci = lax.broadcasted_iota(jnp.int32, (_NB, _B), 1)
  keep_ref[...] = jnp.where(ri * _B + ci < _PRE, 1.0, 0.0).astype(f32)

  rr = lax.broadcasted_iota(jnp.int32, (_B, _B), 0)
  cc = lax.broadcasted_iota(jnp.int32, (_B, _B), 1)
  ident = (rr == cc).astype(f32)
  lower = (rr < cc).astype(f32)

  def _t(row):
    return lax.dot_general(ident, row, (((1,), (1,)), ((), ())),
                           preferred_element_type=f32)

  def _ov_mask(c_x1, c_y1, c_x2, c_y2, c_a, r_x1, r_y1, r_x2, r_y2, r_a):
    xx1 = jnp.maximum(c_x1, r_x1)
    yy1 = jnp.maximum(c_y1, r_y1)
    xx2 = jnp.minimum(c_x2, r_x2)
    yy2 = jnp.minimum(c_y2, r_y2)
    w = jnp.maximum(0.0, xx2 - xx1 + 1.0)
    h = jnp.maximum(0.0, yy2 - yy1 + 1.0)
    inter = w * h
    iou = inter / (c_a + r_a - inter)
    return (iou > _THRESH).astype(f32)

  def outer(i, carry):
    x1i = x1_ref[pl.ds(i, 1), :]
    y1i = y1_ref[pl.ds(i, 1), :]
    x2i = x2_ref[pl.ds(i, 1), :]
    y2i = y2_ref[pl.ds(i, 1), :]
    ai = area_ref[pl.ds(i, 1), :]
    cx1, cy1, cx2, cy2, ca = _t(x1i), _t(y1i), _t(x2i), _t(y2i), _t(ai)

    prior = keep_ref[pl.ds(i, 1), :]
    m_self = _ov_mask(cx1, cy1, cx2, cy2, ca, x1i, y1i, x2i, y2i, ai) * lower

    def fix_cond(c):
      return c[1] > 0

    def fix_body(c):
      a, _ = c
      dead = lax.dot_general(a, m_self, (((1,), (0,)), ((), ())),
                             preferred_element_type=f32)
      a_new = prior * jnp.where(dead > 0.0, 0.0, 1.0)
      changed = jnp.any(a_new != a).astype(jnp.int32)
      return (a_new, changed)

    a_fix, _ = lax.while_loop(fix_cond, fix_body, (prior, jnp.int32(1)))
    keep_ref[pl.ds(i, 1), :] = a_fix

    def inner(j, carry2):
      r_x1 = x1_ref[pl.ds(j, 1), :]
      r_y1 = y1_ref[pl.ds(j, 1), :]
      r_x2 = x2_ref[pl.ds(j, 1), :]
      r_y2 = y2_ref[pl.ds(j, 1), :]
      r_a = area_ref[pl.ds(j, 1), :]
      m = _ov_mask(cx1, cy1, cx2, cy2, ca, r_x1, r_y1, r_x2, r_y2, r_a)
      contrib = lax.dot_general(a_fix, m, (((1,), (0,)), ((), ())),
                                preferred_element_type=f32)
      keep_ref[pl.ds(j, 1), :] = (
          keep_ref[pl.ds(j, 1), :] * jnp.where(contrib > 0.0, 0.0, 1.0))
      return carry2

    lax.fori_loop(i + 1, _NB, inner, 0)
    return carry

  lax.fori_loop(0, _NB, outer, 0)

  keep = keep_ref[...]
  incl = (rr <= cc).astype(f32)
  lane_cum = lax.dot_general(keep, incl, (((1,), (0,)), ((), ())),
                             preferred_element_type=f32)
  ones_col = jnp.ones((_B, 1), f32)
  rowsum = lax.dot_general(keep, ones_col, (((1,), (0,)), ((), ())),
                           preferred_element_type=f32)
  r48 = lax.broadcasted_iota(jnp.int32, (_NB, _NB), 0)
  c48 = lax.broadcasted_iota(jnp.int32, (_NB, _NB), 1)
  l48 = (c48 < r48).astype(f32)
  row_off = lax.dot_general(l48, rowsum, (((1,), (0,)), ((), ())),
                            preferred_element_type=f32)
  ck = lane_cum + row_off
  ones_row = jnp.ones((1, _NB), f32)
  total = lax.dot_general(ones_row, rowsum, (((1,), (0,)), ((), ())),
                          preferred_element_type=f32)
  flat = (ri * _B + ci).astype(f32)
  pos = jnp.where(keep > 0.5, ck - 1.0, total + flat - ck)
  pos_ref[...] = pos.astype(jnp.int32)


def _nms_pos(x1, y1, x2, y2, area):
  return pl.pallas_call(
      _nms_kernel,
      out_shape=jax.ShapeDtypeStruct((_NB, _B), jnp.int32),
      scratch_shapes=[pltpu.VMEM((_NB, _B), jnp.float32)],
  )(x1, y1, x2, y2, area)


_SELP = 384


def _select_kernel(pos_hbm, iota_hbm, order_hbm, scores_hbm,
                   p0_hbm, p1_hbm, p2_hbm, p3_hbm,
                   t0_hbm, t1_hbm, t2_hbm, t3_hbm, t4_hbm, t5_hbm,
                   scores_o, props_o, trans_o,
                   pos_v, iota_v, sel_sh, sel_v, so_v, i2_v, po_v, to_v, sem):
  wid = lax.axis_index("s") * 2 + lax.axis_index("c")

  @pl.when(wid == 0)
  def _():
    pltpu.sync_copy(pos_hbm, pos_v)
    pltpu.sync_copy(iota_hbm, iota_v)

    pltpu.async_copy(iota_v, sel_sh.at[pos_v], sem).wait()
    pltpu.sync_copy(sel_sh.at[pl.ds(0, _SELP)], sel_v)

    pcols = (p0_hbm, p1_hbm, p2_hbm, p3_hbm)
    descs = [pltpu.async_copy(scores_hbm.at[sel_v], so_v, sem),
             pltpu.async_copy(order_hbm.at[sel_v], i2_v, sem)]
    for c in range(4):
      descs.append(pltpu.async_copy(pcols[c].at[sel_v], po_v.at[c], sem))
    for d in descs:
      d.wait()

    tcols = (t0_hbm, t1_hbm, t2_hbm, t3_hbm, t4_hbm, t5_hbm)
    descs = []
    for c in range(6):
      descs.append(pltpu.async_copy(tcols[c].at[i2_v], to_v.at[c], sem))
    for d in descs:
      d.wait()

    pltpu.sync_copy(so_v, scores_o)
    pltpu.sync_copy(po_v, props_o)
    pltpu.sync_copy(to_v, trans_o)


def _select(pos, iota, order, scores, pcols, tcols):
  f32, i32 = jnp.float32, jnp.int32
  mesh = plsc.VectorSubcoreMesh(core_axis_name="c", subcore_axis_name="s")
  k = functools.partial(
      pl.kernel,
      mesh=mesh,
      compiler_params=pltpu.CompilerParams(use_tc_tiling_on_sc=False),
      out_type=[
          jax.ShapeDtypeStruct((_SELP,), f32),
          jax.ShapeDtypeStruct((4, _SELP), f32),
          jax.ShapeDtypeStruct((6, _SELP), f32),
      ],
      scratch_types=[
          pltpu.VMEM((_NPAD,), i32),
          pltpu.VMEM((_NPAD,), i32),
          pltpu.VMEM_SHARED((_NPAD,), i32),
          pltpu.VMEM((_SELP,), i32),
          pltpu.VMEM((_SELP,), f32),
          pltpu.VMEM((_SELP,), i32),
          pltpu.VMEM((4, _SELP), f32),
          pltpu.VMEM((6, _SELP), f32),
          pltpu.SemaphoreType.DMA,
      ],
  )(_select_kernel)
  return k(pos, iota, order, scores, *pcols, *tcols)


def kernel(anchors, rpn_cls_prob, rpn_bbox_pred, rpn_trans_param, im_info):
  f32, i32 = jnp.float32, jnp.int32
  scores = rpn_cls_prob[0, :, :, _NUM_ANCHORS:].reshape(-1)
  deltas = rpn_bbox_pred.reshape(-1, 4)

  scores_sorted, order = lax.top_k(scores, _PRE)
  anch = jnp.take(anchors, order, axis=0)
  dels = jnp.take(deltas, order, axis=0)

  widths = anch[:, 2] - anch[:, 0] + 1.0
  heights = anch[:, 3] - anch[:, 1] + 1.0
  ctr_x = anch[:, 0] + 0.5 * widths
  ctr_y = anch[:, 1] + 0.5 * heights
  pred_ctr_x = dels[:, 0] * widths + ctr_x
  pred_ctr_y = dels[:, 1] * heights + ctr_y
  pred_w = jnp.exp(dels[:, 2]) * widths
  pred_h = jnp.exp(dels[:, 3]) * heights
  x1 = jnp.clip(pred_ctr_x - 0.5 * pred_w, 0.0, im_info[1] - 1.0)
  y1 = jnp.clip(pred_ctr_y - 0.5 * pred_h, 0.0, im_info[0] - 1.0)
  x2 = jnp.clip(pred_ctr_x + 0.5 * pred_w, 0.0, im_info[1] - 1.0)
  y2 = jnp.clip(pred_ctr_y + 0.5 * pred_h, 0.0, im_info[0] - 1.0)

  pad = _NPAD - _PRE
  padv = jnp.zeros((pad,), f32)
  x1p = jnp.concatenate([x1, padv]).reshape(_NB, _B)
  y1p = jnp.concatenate([y1, padv]).reshape(_NB, _B)
  x2p = jnp.concatenate([x2, padv]).reshape(_NB, _B)
  y2p = jnp.concatenate([y2, padv]).reshape(_NB, _B)
  areap = (x2p - x1p + 1.0) * (y2p - y1p + 1.0)

  pos = _nms_pos(x1p, y1p, x2p, y2p, areap).reshape(-1)

  pcols = (x1p.reshape(-1), y1p.reshape(-1), x2p.reshape(-1), y2p.reshape(-1))
  iota = jnp.arange(_NPAD, dtype=i32)
  order_pad = jnp.concatenate([order, jnp.zeros((pad,), i32)])
  scores_pad = jnp.concatenate([scores_sorted, padv])
  trans2d = rpn_trans_param.reshape(-1, 6)
  tcols = tuple(trans2d[:, c] for c in range(6))

  scores_o, props_o, trans_o = _select(pos, iota, order_pad, scores_pad,
                                       pcols, tcols)

  props_k = props_o.T[:_POST]
  scores_k = scores_o[:_POST]
  trans_k = trans_o.T[:_POST]
  blob = jnp.concatenate([jnp.zeros((_POST, 1), f32), props_k], axis=1)
  return (blob, scores_k, trans_k)

# --- scband reference (transcript-rebuilt; emitter-appended) ---
"""Pipeline reference for scband-proposal-layer-78743930404873 (READ-ONLY COPY).

The authoritative reference and input builder live on the scoring server;
editing this copy changes nothing except your own understanding.
"""

import jax, jax.numpy as jnp
import numpy as np
from jax import lax

NUM_ANCHORS = 9
PRE_NMS_TOP_N = 6000
POST_NMS_TOP_N = 300
NMS_THRESH = 0.7


def setup_inputs(seed: int = 0) -> dict:
    key = jax.random.key(seed)
    k1, k2, k3, k4, k5 = jax.random.split(key, 5)
    anchors = jax.random.uniform(k1, (20736, 4), dtype=jnp.float32)
    rpn_cls_prob = jax.random.uniform(k2, (1, 48, 48, 18), dtype=jnp.float32)
    rpn_bbox_pred = jax.random.normal(k3, (1, 48, 48, 36), dtype=jnp.float32)
    rpn_trans_param = jax.random.normal(k4, (1, 48, 48, 54), dtype=jnp.float32)
    im_info = jax.random.randint(k5, (3,), 0, 1024).astype(jnp.float32)
    return {"anchors": anchors, "rpn_cls_prob": rpn_cls_prob,
            "rpn_bbox_pred": rpn_bbox_pred, "rpn_trans_param": rpn_trans_param,
            "im_info": im_info}


def bbox_transform_inv(boxes, deltas):
    widths = boxes[:, 2] - boxes[:, 0] + 1.0
    heights = boxes[:, 3] - boxes[:, 1] + 1.0
    ctr_x = boxes[:, 0] + 0.5 * widths
    ctr_y = boxes[:, 1] + 0.5 * heights
    dx, dy, dw, dh = deltas[:, 0], deltas[:, 1], deltas[:, 2], deltas[:, 3]
    pred_ctr_x = dx * widths + ctr_x
    pred_ctr_y = dy * heights + ctr_y
    pred_w = jnp.exp(dw) * widths
    pred_h = jnp.exp(dh) * heights
    return jnp.stack([pred_ctr_x - 0.5 * pred_w,
                      pred_ctr_y - 0.5 * pred_h,
                      pred_ctr_x + 0.5 * pred_w,
                      pred_ctr_y + 0.5 * pred_h], axis=1)


def clip_boxes(boxes, im):
    x1 = jnp.clip(boxes[:, 0], 0.0, im[1] - 1.0)
    y1 = jnp.clip(boxes[:, 1], 0.0, im[0] - 1.0)
    x2 = jnp.clip(boxes[:, 2], 0.0, im[1] - 1.0)
    y2 = jnp.clip(boxes[:, 3], 0.0, im[0] - 1.0)
    return jnp.stack([x1, y1, x2, y2], axis=1)


def nms_keep_mask(boxes, thresh):
    # boxes assumed sorted by descending score; greedy NMS
    N = boxes.shape[0]
    x1, y1, x2, y2 = boxes[:, 0], boxes[:, 1], boxes[:, 2], boxes[:, 3]
    areas = (x2 - x1 + 1.0) * (y2 - y1 + 1.0)
    idx = jnp.arange(N)

    def body(i, suppressed):
        xx1 = jnp.maximum(x1[i], x1)
        yy1 = jnp.maximum(y1[i], y1)
        xx2 = jnp.minimum(x2[i], x2)
        yy2 = jnp.minimum(y2[i], y2)
        w = jnp.maximum(0.0, xx2 - xx1 + 1.0)
        h = jnp.maximum(0.0, yy2 - yy1 + 1.0)
        inter = w * h
        iou = inter / (areas[i] + areas - inter)
        cond = (~suppressed[i]) & (iou > thresh) & (idx > i)
        return suppressed | cond

    suppressed = lax.fori_loop(0, N, body, jnp.zeros((N,), dtype=bool))
    return ~suppressed


def reference(anchors, rpn_cls_prob, rpn_bbox_pred, rpn_trans_param, im_info):
    scores = rpn_cls_prob[:, :, :, NUM_ANCHORS:]
    bbox_pred = rpn_bbox_pred.reshape(-1, 4)
    scores = scores.reshape(-1)
    trans_param = rpn_trans_param.reshape(-1, 6)

    proposals = bbox_transform_inv(anchors, bbox_pred)
    proposals = clip_boxes(proposals, im_info[:2])

    order = jnp.argsort(-scores)
    scores_sorted = scores[order]
    order = order[:PRE_NMS_TOP_N]
    scores_sorted = scores_sorted[:PRE_NMS_TOP_N]
    proposals = proposals[order, :]
    trans_param = trans_param[order, :]

    keep_mask = nms_keep_mask(proposals, NMS_THRESH)
    Np = keep_mask.shape[0]
    rank = jnp.where(keep_mask, jnp.arange(Np), Np + jnp.arange(Np))
    keep = jnp.argsort(rank)[:POST_NMS_TOP_N]

    proposals_k = proposals[keep, :]
    scores_k = scores_sorted[keep]
    trans_k = trans_param[keep, :]
    batch_inds = jnp.zeros((proposals_k.shape[0], 1), dtype=proposals_k.dtype)
    blob = jnp.concatenate([batch_inds, proposals_k], axis=1)
    return (blob, scores_k, trans_k)

if __name__ == "__main__":
    import jax
    _d = setup_inputs()
    print(jax.jit(kernel)(*tuple(_d.values())))

</pallas_src>

<mosaic_0001>
#map = affine_map<(d0, d1) -> (0)>
#map1 = affine_map<(d0, d1) -> (0, 0)>
module attributes {stable_mosaic.version = 14 : i64} {
  func.func @_select_kernel(%arg0: i32, %arg1: i32, %arg2: memref<6144xi32, #tpu.memory_space<hbm>>, %arg3: memref<6144xi32, #tpu.memory_space<hbm>>, %arg4: memref<6144xi32, #tpu.memory_space<hbm>>, %arg5: memref<6144xf32, #tpu.memory_space<hbm>>, %arg6: memref<6144xf32, #tpu.memory_space<hbm>>, %arg7: memref<6144xf32, #tpu.memory_space<hbm>>, %arg8: memref<6144xf32, #tpu.memory_space<hbm>>, %arg9: memref<6144xf32, #tpu.memory_space<hbm>>, %arg10: memref<20736xf32, #tpu.memory_space<hbm>>, %arg11: memref<20736xf32, #tpu.memory_space<hbm>>, %arg12: memref<20736xf32, #tpu.memory_space<hbm>>, %arg13: memref<20736xf32, #tpu.memory_space<hbm>>, %arg14: memref<20736xf32, #tpu.memory_space<hbm>>, %arg15: memref<20736xf32, #tpu.memory_space<hbm>>, %arg16: memref<384xf32, #tpu.memory_space<hbm>>, %arg17: memref<4x384xf32, #tpu.memory_space<hbm>>, %arg18: memref<6x384xf32, #tpu.memory_space<hbm>>, %arg19: memref<6144xi32, #tpu.memory_space<vmem>>, %arg20: memref<6144xi32, #tpu.memory_space<vmem>>, %arg21: memref<6144xi32, #tpu.memory_space<vmem_shared>>, %arg22: memref<384xi32, #tpu.memory_space<vmem>>, %arg23: memref<384xf32, #tpu.memory_space<vmem>>, %arg24: memref<384xi32, #tpu.memory_space<vmem>>, %arg25: memref<4x384xf32, #tpu.memory_space<vmem>>, %arg26: memref<6x384xf32, #tpu.memory_space<vmem>>, %arg27: memref<!tpu.dma_semaphore, #tpu.memory_space<semaphore_mem>>) attributes {dimension_semantics = [#tpu.dimension_semantics<core_parallel>, #tpu.dimension_semantics<subcore_parallel>], iteration_bounds = array<i64: 2, 16>, scalar_prefetch = 0 : i64, scratch_operands = 9 : i64, tpu.core_type = #tpu.core_type<sc_vector_subcore>, window_params = [{transform_indices = #map}, {transform_indices = #map}, {transform_indices = #map}, {transform_indices = #map}, {transform_indices = #map}, {transform_indices = #map}, {transform_indices = #map}, {transform_indices = #map}, {transform_indices = #map}, {transform_indices = #map}, {transform_indices = #map}, {transform_indices = #map}, {transform_indices = #map}, {transform_indices = #map}, {transform_indices = #map}, {transform_indices = #map1}, {transform_indices = #map1}]} {
    %mul3A = arith.constant 2 : i32
    %mul3A_0 = arith.muli %arg1, %mul3A : i32
    %add3A = arith.addi %mul3A_0, %arg0 : i32
    %eq3A = arith.constant 0 : i32
    %eq3A_1 = arith.cmpi eq, %add3A, %eq3A : i32
    %convert_element_type3A = arith.extui %eq3A_1 : i1 to i32
    %cond3A = arith.constant 0 : i32
    %cond3A_2 = arith.cmpi ne, %convert_element_type3A, %cond3A : i32
    scf.if %cond3A_2 {
      "tpu.region"() ({
        %run_scoped3A = tpu.sem_alloc : memref<!tpu.dma_semaphore, #tpu.memory_space<semaphore_mem>>
        tpu.enqueue_dma source(%arg2 : memref<6144xi32, #tpu.memory_space<hbm>>) target(%arg19 : memref<6144xi32, #tpu.memory_space<vmem>>) target_semaphore(%run_scoped3A : memref<!tpu.dma_semaphore, #tpu.memory_space<semaphore_mem>>)
        tpu.wait_dma2 semaphore(%run_scoped3A : memref<!tpu.dma_semaphore, #tpu.memory_space<semaphore_mem>>) src(%arg2 : memref<6144xi32, #tpu.memory_space<hbm>>) dst(%arg19 : memref<6144xi32, #tpu.memory_space<vmem>>)
        tpu.yield
      }) : () -> ()
      "tpu.region"() ({
        %run_scoped3A = tpu.sem_alloc : memref<!tpu.dma_semaphore, #tpu.memory_space<semaphore_mem>>
        tpu.enqueue_dma source(%arg3 : memref<6144xi32, #tpu.memory_space<hbm>>) target(%arg20 : memref<6144xi32, #tpu.memory_space<vmem>>) target_semaphore(%run_scoped3A : memref<!tpu.dma_semaphore, #tpu.memory_space<semaphore_mem>>)
        tpu.wait_dma2 semaphore(%run_scoped3A : memref<!tpu.dma_semaphore, #tpu.memory_space<semaphore_mem>>) src(%arg3 : memref<6144xi32, #tpu.memory_space<hbm>>) dst(%arg20 : memref<6144xi32, #tpu.memory_space<vmem>>)
        tpu.yield
      }) : () -> ()
      %dma_start3A = arith.constant 0 : i32
      %dma_start3A_3 = tpu.memref_slice %arg21[%dma_start3A] : memref<6144xi32, #tpu.memory_space<vmem_shared>> -> memref<6144xi32, #tpu.memory_space<vmem_shared>>
      tpu.enqueue_indirect_dma source(%arg20 : memref<6144xi32, #tpu.memory_space<vmem>>) target(%dma_start3A_3 : memref<6144xi32, #tpu.memory_space<vmem_shared>>) offsets(%arg19 : memref<6144xi32, #tpu.memory_space<vmem>>) semaphore(%arg27 : memref<!tpu.dma_semaphore, #tpu.memory_space<semaphore_mem>>)
      %dma_wait3A = arith.constant 0 : i32
      %dma_wait3A_4 = tpu.memref_slice %arg21[%dma_wait3A] : memref<6144xi32, #tpu.memory_space<vmem_shared>> -> memref<6144xi32, #tpu.memory_space<vmem_shared>>
      tpu.wait_indirect_dma semaphore(%arg27 : memref<!tpu.dma_semaphore, #tpu.memory_space<semaphore_mem>>) src(%arg20 : memref<6144xi32, #tpu.memory_space<vmem>>) dst(%dma_wait3A_4 : memref<6144xi32, #tpu.memory_space<vmem_shared>>)
      "tpu.region"() ({
        %run_scoped3A = tpu.sem_alloc : memref<!tpu.dma_semaphore, #tpu.memory_space<semaphore_mem>>
        %dma_start3A_133 = arith.constant 0 : i32
        %dma_start3A_134 = tpu.memref_slice %arg21[%dma_start3A_133] : memref<6144xi32, #tpu.memory_space<vmem_shared>> -> memref<384xi32, #tpu.memory_space<vmem_shared>>
        %dma_start3A_135 = arith.constant 0 : i32
        %dma_start3A_136 = tpu.memref_slice %arg21[%dma_start3A_135] : memref<6144xi32, #tpu.memory_space<vmem_shared>> -> memref<384xi32, #tpu.memory_space<vmem_shared>>
        tpu.enqueue_dma source(%dma_start3A_136 : memref<384xi32, #tpu.memory_space<vmem_shared>>) target(%arg22 : memref<384xi32, #tpu.memory_space<vmem>>) target_semaphore(%run_scoped3A : memref<!tpu.dma_semaphore, #tpu.memory_space<semaphore_mem>>)
        %dma_wait3A_137 = arith.constant 0 : i32
        %dma_wait3A_138 = tpu.memref_slice %arg21[%dma_wait3A_137] : memref<6144xi32, #tpu.memory_space<vmem_shared>> -> memref<384xi32, #tpu.memory_space<vmem_shared>>
        %dma_wait3A_139 = arith.constant 0 : i32
        %dma_wait3A_140 = tpu.memref_slice %arg21[%dma_wait3A_139] : memref<6144xi32, #tpu.memory_space<vmem_shared>> -> memref<384xi32, #tpu.memory_space<vmem_shared>>
        tpu.wait_dma2 semaphore(%run_scoped3A : memref<!tpu.dma_semaphore, #tpu.memory_space<semaphore_mem>>) src(%dma_wait3A_140 : memref<384xi32, #tpu.memory_space<vmem_shared>>) dst(%arg22 : memref<384xi32, #tpu.memory_space<vmem>>)
        tpu.yield
      }) : () -> ()
      %dma_start3A_5 = arith.constant 0 : i32
      %dma_start3A_6 = tpu.memref_slice %arg5[%dma_start3A_5] : memref<6144xf32, #tpu.memory_space<hbm>> -> memref<6144xf32, #tpu.memory_space<hbm>>
      tpu.enqueue_indirect_dma source(%dma_start3A_6 : memref<6144xf32, #tpu.memory_space<hbm>>) target(%arg23 : memref<384xf32, #tpu.memory_space<vmem>>) offsets(%arg22 : memref<384xi32, #tpu.memory_space<vmem>>) semaphore(%arg27 : memref<!tpu.dma_semaphore, #tpu.memory_space<semaphore_mem>>)
      %dma_start3A_7 = arith.constant 0 : i32
      %dma_start3A_8 = tpu.memref_slice %arg4[%dma_start3A_7] : memref<6144xi32, #tpu.memory_space<hbm>> -> memref<6144xi32, #tpu.memory_space<hbm>>
      tpu.enqueue_indirect_dma source(%dma_start3A_8 : memref<6144xi32, #tpu.memory_space<hbm>>) target(%arg24 : memref<384xi32, #tpu.memory_space<vmem>>) offsets(%arg22 : memref<384xi32, #tpu.memory_space<vmem>>) semaphore(%arg27 : memref<!tpu.dma_semaphore, #tpu.memory_space<semaphore_mem>>)
      %dma_start3A_9 = arith.constant 0 : i32
      %dma_start3A_10 = arith.constant 0 : i32
      %dma_start3A_11 = tpu.memref_slice %arg25[%dma_start3A_9, %dma_start3A_10] : memref<4x384xf32, #tpu.memory_space<vmem>> -> memref<1x384xf32, #tpu.memory_space<vmem>>
      %dma_start3A_12 = tpu.memref_squeeze %dma_start3A_11 : memref<1x384xf32, #tpu.memory_space<vmem>> -> memref<384xf32, #tpu.memory_space<vmem>>
      %dma_start3A_13 = arith.constant 0 : i32
      %dma_start3A_14 = tpu.memref_slice %arg6[%dma_start3A_13] : memref<6144xf32, #tpu.memory_space<hbm>> -> memref<6144xf32, #tpu.memory_space<hbm>>
      tpu.enqueue_indirect_dma source(%dma_start3A_14 : memref<6144xf32, #tpu.memory_space<hbm>>) target(%dma_start3A_12 : memref<384xf32, #tpu.memory_space<vmem>>) offsets(%arg22 : memref<384xi32, #tpu.memory_space<vmem>>) semaphore(%arg27 : memref<!tpu.dma_semaphore, #tpu.memory_space<semaphore_mem>>)
      %dma_start3A_15 = arith.constant 1 : i32
      %dma_start3A_16 = arith.constant 0 : i32
      %dma_start3A_17 = tpu.memref_slice %arg25[%dma_start3A_15, %dma_start3A_16] : memref<4x384xf32, #tpu.memory_space<vmem>> -> memref<1x384xf32, #tpu.memory_space<vmem>>
      %dma_start3A_18 = tpu.memref_squeeze %dma_start3A_17 : memref<1x384xf32, #tpu.memory_space<vmem>> -> memref<384xf32, #tpu.memory_space<vmem>>
      %dma_start3A_19 = arith.constant 0 : i32
      %dma_start3A_20 = tpu.memref_slice %arg7[%dma_start3A_19] : memref<6144xf32, #tpu.memory_space<hbm>> -> memref<6144xf32, #tpu.memory_space<hbm>>
      tpu.enqueue_indirect_dma source(%dma_start3A_20 : memref<6144xf32, #tpu.memory_space<hbm>>) target(%dma_start3A_18 : memref<384xf32, #tpu.memory_space<vmem>>) offsets(%arg22 : memref<384xi32, #tpu.memory_space<vmem>>) semaphore(%arg27 : memref<!tpu.dma_semaphore, #tpu.memory_space<semaphore_mem>>)
      %dma_start3A_21 = arith.constant 2 : i32
      %dma_start3A_22 = arith.constant 0 : i32
      %dma_start3A_23 = tpu.memref_slice %arg25[%dma_start3A_21, %dma_start3A_22] : memref<4x384xf32, #tpu.memory_space<vmem>> -> memref<1x384xf32, #tpu.memory_space<vmem>>
      %dma_start3A_24 = tpu.memref_squeeze %dma_start3A_23 : memref<1x384xf32, #tpu.memory_space<vmem>> -> memref<384xf32, #tpu.memory_space<vmem>>
      %dma_start3A_25 = arith.constant 0 : i32
      %dma_start3A_26 = tpu.memref_slice %arg8[%dma_start3A_25] : memref<6144xf32, #tpu.memory_space<hbm>> -> memref<6144xf32, #tpu.memory_space<hbm>>
      tpu.enqueue_indirect_dma source(%dma_start3A_26 : memref<6144xf32, #tpu.memory_space<hbm>>) target(%dma_start3A_24 : memref<384xf32, #tpu.memory_space<vmem>>) offsets(%arg22 : memref<384xi32, #tpu.memory_space<vmem>>) semaphore(%arg27 : memref<!tpu.dma_semaphore, #tpu.memory_space<semaphore_mem>>)
      %dma_start3A_27 = arith.constant 3 : i32
      %dma_start3A_28 = arith.constant 0 : i32
      %dma_start3A_29 = tpu.memref_slice %arg25[%dma_start3A_27, %dma_start3A_28] : memref<4x384xf32, #tpu.memory_space<vmem>> -> memref<1x384xf32, #tpu.memory_space<vmem>>
      %dma_start3A_30 = tpu.memref_squeeze %dma_start3A_29 : memref<1x384xf32, #tpu.memory_space<vmem>> -> memref<384xf32, #tpu.memory_space<vmem>>
      %dma_start3A_31 = arith.constant 0 : i32
      %dma_start3A_32 = tpu.memref_slice %arg9[%dma_start3A_31] : memref<6144xf32, #tpu.memory_space<hbm>> -> memref<6144xf32, #tpu.memory_space<hbm>>
      tpu.enqueue_indirect_dma source(%dma_start3A_32 : memref<6144xf32, #tpu.memory_space<hbm>>) target(%dma_start3A_30 : memref<384xf32, #tpu.memory_space<vmem>>) offsets(%arg22 : memref<384xi32, #tpu.memory_space<vmem>>) semaphore(%arg27 : memref<!tpu.dma_semaphore, #tpu.memory_space<semaphore_mem>>)
      %dma_wait3A_33 = arith.constant 0 : i32
      %dma_wait3A_34 = tpu.memref_slice %arg5[%dma_wait3A_33] : memref<6144xf32, #tpu.memory_space<hbm>> -> memref<6144xf32, #tpu.memory_space<hbm>>
      tpu.wait_indirect_dma semaphore(%arg27 : memref<!tpu.dma_semaphore, #tpu.memory_space<semaphore_mem>>) src(%dma_wait3A_34 : memref<6144xf32, #tpu.memory_space<hbm>>) dst(%arg23 : memref<384xf32, #tpu.memory_space<vmem>>)
      %dma_wait3A_35 = arith.constant 0 : i32
      %dma_wait3A_36 = tpu.memref_slice %arg4[%dma_wait3A_35] : memref<6144xi32, #tpu.memory_space<hbm>> -> memref<6144xi32, #tpu.memory_space<hbm>>
      tpu.wait_indirect_dma semaphore(%arg27 : memref<!tpu.dma_semaphore, #tpu.memory_space<semaphore_mem>>) src(%dma_wait3A_36 : memref<6144xi32, #tpu.memory_space<hbm>>) dst(%arg24 : memref<384xi32, #tpu.memory_space<vmem>>)
      %dma_wait3A_37 = arith.constant 0 : i32
      %dma_wait3A_38 = arith.constant 0 : i32
      %dma_wait3A_39 = tpu.memref_slice %arg25[%dma_wait3A_37, %dma_wait3A_38] : memref<4x384xf32, #tpu.memory_space<vmem>> -> memref<1x384xf32, #tpu.memory_space<vmem>>
      %dma_wait3A_40 = tpu.memref_squeeze %dma_wait3A_39 : memref<1x384xf32, #tpu.memory_space<vmem>> -> memref<384xf32, #tpu.memory_space<vmem>>
      %dma_wait3A_41 = arith.constant 0 : i32
      %dma_wait3A_42 = tpu.memref_slice %arg6[%dma_wait3A_41] : memref<6144xf32, #tpu.memory_space<hbm>> -> memref<6144xf32, #tpu.memory_space<hbm>>
      tpu.wait_indirect_dma semaphore(%arg27 : memref<!tpu.dma_semaphore, #tpu.memory_space<semaphore_mem>>) src(%dma_wait3A_42 : memref<6144xf32, #tpu.memory_space<hbm>>) dst(%dma_wait3A_40 : memref<384xf32, #tpu.memory_space<vmem>>)
      %dma_wait3A_43 = arith.constant 1 : i32
      %dma_wait3A_44 = arith.constant 0 : i32
      %dma_wait3A_45 = tpu.memref_slice %arg25[%dma_wait3A_43, %dma_wait3A_44] : memref<4x384xf32, #tpu.memory_space<vmem>> -> memref<1x384xf32, #tpu.memory_space<vmem>>
      %dma_wait3A_46 = tpu.memref_squeeze %dma_wait3A_45 : memref<1x384xf32, #tpu.memory_space<vmem>> -> memref<384xf32, #tpu.memory_space<vmem>>
      %dma_wait3A_47 = arith.constant 0 : i32
      %dma_wait3A_48 = tpu.memref_slice %arg7[%dma_wait3A_47] : memref<6144xf32, #tpu.memory_space<hbm>> -> memref<6144xf32, #tpu.memory_space<hbm>>
      tpu.wait_indirect_dma semaphore(%arg27 : memref<!tpu.dma_semaphore, #tpu.memory_space<semaphore_mem>>) src(%dma_wait3A_48 : memref<6144xf32, #tpu.memory_space<hbm>>) dst(%dma_wait3A_46 : memref<384xf32, #tpu.memory_space<vmem>>)
      %dma_wait3A_49 = arith.constant 2 : i32
      %dma_wait3A_50 = arith.constant 0 : i32
      %dma_wait3A_51 = tpu.memref_slice %arg25[%dma_wait3A_49, %dma_wait3A_50] : memref<4x384xf32, #tpu.memory_space<vmem>> -> memref<1x384xf32, #tpu.memory_space<vmem>>
      %dma_wait3A_52 = tpu.memref_squeeze %dma_wait3A_51 : memref<1x384xf32, #tpu.memory_space<vmem>> -> memref<384xf32, #tpu.memory_space<vmem>>
      %dma_wait3A_53 = arith.constant 0 : i32
      %dma_wait3A_54 = tpu.memref_slice %arg8[%dma_wait3A_53] : memref<6144xf32, #tpu.memory_space<hbm>> -> memref<6144xf32, #tpu.memory_space<hbm>>
      tpu.wait_indirect_dma semaphore(%arg27 : memref<!tpu.dma_semaphore, #tpu.memory_space<semaphore_mem>>) src(%dma_wait3A_54 : memref<6144xf32, #tpu.memory_space<hbm>>) dst(%dma_wait3A_52 : memref<384xf32, #tpu.memory_space<vmem>>)
      %dma_wait3A_55 = arith.constant 3 : i32
      %dma_wait3A_56 = arith.constant 0 : i32
      %dma_wait3A_57 = tpu.memref_slice %arg25[%dma_wait3A_55, %dma_wait3A_56] : memref<4x384xf32, #tpu.memory_space<vmem>> -> memref<1x384xf32, #tpu.memory_space<vmem>>
      %dma_wait3A_58 = tpu.memref_squeeze %dma_wait3A_57 : memref<1x384xf32, #tpu.memory_space<vmem>> -> memref<384xf32, #tpu.memory_space<vmem>>
      %dma_wait3A_59 = arith.constant 0 : i32
      %dma_wait3A_60 = tpu.memref_slice %arg9[%dma_wait3A_59] : memref<6144xf32, #tpu.memory_space<hbm>> -> memref<6144xf32, #tpu.memory_space<hbm>>
      tpu.wait_indirect_dma semaphore(%arg27 : memref<!tpu.dma_semaphore, #tpu.memory_space<semaphore_mem>>) src(%dma_wait3A_60 : memref<6144xf32, #tpu.memory_space<hbm>>) dst(%dma_wait3A_58 : memref<384xf32, #tpu.memory_space<vmem>>)
      %dma_start3A_61 = arith.constant 0 : i32
      %dma_start3A_62 = arith.constant 0 : i32
      %dma_start3A_63 = tpu.memref_slice %arg26[%dma_start3A_61, %dma_start3A_62] : memref<6x384xf32, #tpu.memory_space<vmem>> -> memref<1x384xf32, #tpu.memory_space<vmem>>
      %dma_start3A_64 = tpu.memref_squeeze %dma_start3A_63 : memref<1x384xf32, #tpu.memory_space<vmem>> -> memref<384xf32, #tpu.memory_space<vmem>>
      %dma_start3A_65 = arith.constant 0 : i32
      %dma_start3A_66 = tpu.memref_slice %arg10[%dma_start3A_65] : memref<20736xf32, #tpu.memory_space<hbm>> -> memref<20736xf32, #tpu.memory_space<hbm>>
      tpu.enqueue_indirect_dma source(%dma_start3A_66 : memref<20736xf32, #tpu.memory_space<hbm>>) target(%dma_start3A_64 : memref<384xf32, #tpu.memory_space<vmem>>) offsets(%arg24 : memref<384xi32, #tpu.memory_space<vmem>>) semaphore(%arg27 : memref<!tpu.dma_semaphore, #tpu.memory_space<semaphore_mem>>)
      %dma_start3A_67 = arith.constant 1 : i32
      %dma_start3A_68 = arith.constant 0 : i32
      %dma_start3A_69 = tpu.memref_slice %arg26[%dma_start3A_67, %dma_start3A_68] : memref<6x384xf32, #tpu.memory_space<vmem>> -> memref<1x384xf32, #tpu.memory_space<vmem>>
      %dma_start3A_70 = tpu.memref_squeeze %dma_start3A_69 : memref<1x384xf32, #tpu.memory_space<vmem>> -> memref<384xf32, #tpu.memory_space<vmem>>
      %dma_start3A_71 = arith.constant 0 : i32
      %dma_start3A_72 = tpu.memref_slice %arg11[%dma_start3A_71] : memref<20736xf32, #tpu.memory_space<hbm>> -> memref<20736xf32, #tpu.memory_space<hbm>>
      tpu.enqueue_indirect_dma source(%dma_start3A_72 : memref<20736xf32, #tpu.memory_space<hbm>>) target(%dma_start3A_70 : memref<384xf32, #tpu.memory_space<vmem>>) offsets(%arg24 : memref<384xi32, #tpu.memory_space<vmem>>) semaphore(%arg27 : memref<!tpu.dma_semaphore, #tpu.memory_space<semaphore_mem>>)
      %dma_start3A_73 = arith.constant 2 : i32
      %dma_start3A_74 = arith.constant 0 : i32
      %dma_start3A_75 = tpu.memref_slice %arg26[%dma_start3A_73, %dma_start3A_74] : memref<6x384xf32, #tpu.memory_space<vmem>> -> memref<1x384xf32, #tpu.memory_space<vmem>>
      %dma_start3A_76 = tpu.memref_squeeze %dma_start3A_75 : memref<1x384xf32, #tpu.memory_space<vmem>> -> memref<384xf32, #tpu.memory_space<vmem>>
      %dma_start3A_77 = arith.constant 0 : i32
      %dma_start3A_78 = tpu.memref_slice %arg12[%dma_start3A_77] : memref<20736xf32, #tpu.memory_space<hbm>> -> memref<20736xf32, #tpu.memory_space<hbm>>
      tpu.enqueue_indirect_dma source(%dma_start3A_78 : memref<20736xf32, #tpu.memory_space<hbm>>) target(%dma_start3A_76 : memref<384xf32, #tpu.memory_space<vmem>>) offsets(%arg24 : memref<384xi32, #tpu.memory_space<vmem>>) semaphore(%arg27 : memref<!tpu.dma_semaphore, #tpu.memory_space<semaphore_mem>>)
      %dma_start3A_79 = arith.constant 3 : i32
      %dma_start3A_80 = arith.constant 0 : i32
      %dma_start3A_81 = tpu.memref_slice %arg26[%dma_start3A_79, %dma_start3A_80] : memref<6x384xf32, #tpu.memory_space<vmem>> -> memref<1x384xf32, #tpu.memory_space<vmem>>
      %dma_start3A_82 = tpu.memref_squeeze %dma_start3A_81 : memref<1x384xf32, #tpu.memory_space<vmem>> -> memref<384xf32, #tpu.memory_space<vmem>>
      %dma_start3A_83 = arith.constant 0 : i32
      %dma_start3A_84 = tpu.memref_slice %arg13[%dma_start3A_83] : memref<20736xf32, #tpu.memory_space<hbm>> -> memref<20736xf32, #tpu.memory_space<hbm>>
      tpu.enqueue_indirect_dma source(%dma_start3A_84 : memref<20736xf32, #tpu.memory_space<hbm>>) target(%dma_start3A_82 : memref<384xf32, #tpu.memory_space<vmem>>) offsets(%arg24 : memref<384xi32, #tpu.memory_space<vmem>>) semaphore(%arg27 : memref<!tpu.dma_semaphore, #tpu.memory_space<semaphore_mem>>)
      %dma_start3A_85 = arith.constant 4 : i32
      %dma_start3A_86 = arith.constant 0 : i32
      %dma_start3A_87 = tpu.memref_slice %arg26[%dma_start3A_85, %dma_start3A_86] : memref<6x384xf32, #tpu.memory_space<vmem>> -> memref<1x384xf32, #tpu.memory_space<vmem>>
      %dma_start3A_88 = tpu.memref_squeeze %dma_start3A_87 : memref<1x384xf32, #tpu.memory_space<vmem>> -> memref<384xf32, #tpu.memory_space<vmem>>
      %dma_start3A_89 = arith.constant 0 : i32
      %dma_start3A_90 = tpu.memref_slice %arg14[%dma_start3A_89] : memref<20736xf32, #tpu.memory_space<hbm>> -> memref<20736xf32, #tpu.memory_space<hbm>>
      tpu.enqueue_indirect_dma source(%dma_start3A_90 : memref<20736xf32, #tpu.memory_space<hbm>>) target(%dma_start3A_88 : memref<384xf32, #tpu.memory_space<vmem>>) offsets(%arg24 : memref<384xi32, #tpu.memory_space<vmem>>) semaphore(%arg27 : memref<!tpu.dma_semaphore, #tpu.memory_space<semaphore_mem>>)
      %dma_start3A_91 = arith.constant 5 : i32
      %dma_start3A_92 = arith.constant 0 : i32
      %dma_start3A_93 = tpu.memref_slice %arg26[%dma_start3A_91, %dma_start3A_92] : memref<6x384xf32, #tpu.memory_space<vmem>> -> memref<1x384xf32, #tpu.memory_space<vmem>>
      %dma_start3A_94 = tpu.memref_squeeze %dma_start3A_93 : memref<1x384xf32, #tpu.memory_space<vmem>> -> memref<384xf32, #tpu.memory_space<vmem>>
      %dma_start3A_95 = arith.constant 0 : i32
      %dma_start3A_96 = tpu.memref_slice %arg15[%dma_start3A_95] : memref<20736xf32, #tpu.memory_space<hbm>> -> memref<20736xf32, #tpu.memory_space<hbm>>
      tpu.enqueue_indirect_dma source(%dma_start3A_96 : memref<20736xf32, #tpu.memory_space<hbm>>) target(%dma_start3A_94 : memref<384xf32, #tpu.memory_space<vmem>>) offsets(%arg24 : memref<384xi32, #tpu.memory_space<vmem>>) semaphore(%arg27 : memref<!tpu.dma_semaphore, #tpu.memory_space<semaphore_mem>>)
      %dma_wait3A_97 = arith.constant 0 : i32
      %dma_wait3A_98 = arith.constant 0 : i32
      %dma_wait3A_99 = tpu.memref_slice %arg26[%dma_wait3A_97, %dma_wait3A_98] : memref<6x384xf32, #tpu.memory_space<vmem>> -> memref<1x384xf32, #tpu.memory_space<vmem>>
      %dma_wait3A_100 = tpu.memref_squeeze %dma_wait3A_99 : memref<1x384xf32, #tpu.memory_space<vmem>> -> memref<384xf32, #tpu.memory_space<vmem>>
      %dma_wait3A_101 = arith.constant 0 : i32
      %dma_wait3A_102 = tpu.memref_slice %arg10[%dma_wait3A_101] : memref<20736xf32, #tpu.memory_space<hbm>> -> memref<20736xf32, #tpu.memory_space<hbm>>
      tpu.wait_indirect_dma semaphore(%arg27 : memref<!tpu.dma_semaphore, #tpu.memory_space<semaphore_mem>>) src(%dma_wait3A_102 : memref<20736xf32, #tpu.memory_space<hbm>>) dst(%dma_wait3A_100 : memref<384xf32, #tpu.memory_space<vmem>>)
      %dma_wait3A_103 = arith.constant 1 : i32
      %dma_wait3A_104 = arith.constant 0 : i32
      %dma_wait3A_105 = tpu.memref_slice %arg26[%dma_wait3A_103, %dma_wait3A_104] : memref<6x384xf32, #tpu.memory_space<vmem>> -> memref<1x384xf32, #tpu.memory_space<vmem>>
      %dma_wait3A_106 = tpu.memref_squeeze %dma_wait3A_105 : memref<1x384xf32, #tpu.memory_space<vmem>> -> memref<384xf32, #tpu.memory_space<vmem>>
      %dma_wait3A_107 = arith.constant 0 : i32
      %dma_wait3A_108 = tpu.memref_slice %arg11[%dma_wait3A_107] : memref<20736xf32, #tpu.memory_space<hbm>> -> memref<20736xf32, #tpu.memory_space<hbm>>
      tpu.wait_indirect_dma semaphore(%arg27 : memref<!tpu.dma_semaphore, #tpu.memory_space<semaphore_mem>>) src(%dma_wait3A_108 : memref<20736xf32, #tpu.memory_space<hbm>>) dst(%dma_wait3A_106 : memref<384xf32, #tpu.memory_space<vmem>>)
      %dma_wait3A_109 = arith.constant 2 : i32
      %dma_wait3A_110 = arith.constant 0 : i32
      %dma_wait3A_111 = tpu.memref_slice %arg26[%dma_wait3A_109, %dma_wait3A_110] : memref<6x384xf32, #tpu.memory_space<vmem>> -> memref<1x384xf32, #tpu.memory_space<vmem>>
      %dma_wait3A_112 = tpu.memref_squeeze %dma_wait3A_111 : memref<1x384xf32, #tpu.memory_space<vmem>> -> memref<384xf32, #tpu.memory_space<vmem>>
      %dma_wait3A_113 = arith.constant 0 : i32
      %dma_wait3A_114 = tpu.memref_slice %arg12[%dma_wait3A_113] : memref<20736xf32, #tpu.memory_space<hbm>> -> memref<20736xf32, #tpu.memory_space<hbm>>
      tpu.wait_indirect_dma semaphore(%arg27 : memref<!tpu.dma_semaphore, #tpu.memory_space<semaphore_mem>>) src(%dma_wait3A_114 : memref<20736xf32, #tpu.memory_space<hbm>>) dst(%dma_wait3A_112 : memref<384xf32, #tpu.memory_space<vmem>>)
      %dma_wait3A_115 = arith.constant 3 : i32
      %dma_wait3A_116 = arith.constant 0 : i32
      %dma_wait3A_117 = tpu.memref_slice %arg26[%dma_wait3A_115, %dma_wait3A_116] : memref<6x384xf32, #tpu.memory_space<vmem>> -> memref<1x384xf32, #tpu.memory_space<vmem>>
      %dma_wait3A_118 = tpu.memref_squeeze %dma_wait3A_117 : memref<1x384xf32, #tpu.memory_space<vmem>> -> memref<384xf32, #tpu.memory_space<vmem>>
      %dma_wait3A_119 = arith.constant 0 : i32
      %dma_wait3A_120 = tpu.memref_slice %arg13[%dma_wait3A_119] : memref<20736xf32, #tpu.memory_space<hbm>> -> memref<20736xf32, #tpu.memory_space<hbm>>
      tpu.wait_indirect_dma semaphore(%arg27 : memref<!tpu.dma_semaphore, #tpu.memory_space<semaphore_mem>>) src(%dma_wait3A_120 : memref<20736xf32, #tpu.memory_space<hbm>>) dst(%dma_wait3A_118 : memref<384xf32, #tpu.memory_space<vmem>>)
      %dma_wait3A_121 = arith.constant 4 : i32
      %dma_wait3A_122 = arith.constant 0 : i32
      %dma_wait3A_123 = tpu.memref_slice %arg26[%dma_wait3A_121, %dma_wait3A_122] : memref<6x384xf32, #tpu.memory_space<vmem>> -> memref<1x384xf32, #tpu.memory_space<vmem>>
      %dma_wait3A_124 = tpu.memref_squeeze %dma_wait3A_123 : memref<1x384xf32, #tpu.memory_space<vmem>> -> memref<384xf32, #tpu.memory_space<vmem>>
      %dma_wait3A_125 = arith.constant 0 : i32
      %dma_wait3A_126 = tpu.memref_slice %arg14[%dma_wait3A_125] : memref<20736xf32, #tpu.memory_space<hbm>> -> memref<20736xf32, #tpu.memory_space<hbm>>
      tpu.wait_indirect_dma semaphore(%arg27 : memref<!tpu.dma_semaphore, #tpu.memory_space<semaphore_mem>>) src(%dma_wait3A_126 : memref<20736xf32, #tpu.memory_space<hbm>>) dst(%dma_wait3A_124 : memref<384xf32, #tpu.memory_space<vmem>>)
      %dma_wait3A_127 = arith.constant 5 : i32
      %dma_wait3A_128 = arith.constant 0 : i32
      %dma_wait3A_129 = tpu.memref_slice %arg26[%dma_wait3A_127, %dma_wait3A_128] : memref<6x384xf32, #tpu.memory_space<vmem>> -> memref<1x384xf32, #tpu.memory_space<vmem>>
      %dma_wait3A_130 = tpu.memref_squeeze %dma_wait3A_129 : memref<1x384xf32, #tpu.memory_space<vmem>> -> memref<384xf32, #tpu.memory_space<vmem>>
      %dma_wait3A_131 = arith.constant 0 : i32
      %dma_wait3A_132 = tpu.memref_slice %arg15[%dma_wait3A_131] : memref<20736xf32, #tpu.memory_space<hbm>> -> memref<20736xf32, #tpu.memory_space<hbm>>
      tpu.wait_indirect_dma semaphore(%arg27 : memref<!tpu.dma_semaphore, #tpu.memory_space<semaphore_mem>>) src(%dma_wait3A_132 : memref<20736xf32, #tpu.memory_space<hbm>>) dst(%dma_wait3A_130 : memref<384xf32, #tpu.memory_space<vmem>>)
      "tpu.region"() ({
        %run_scoped3A = tpu.sem_alloc : memref<!tpu.dma_semaphore, #tpu.memory_space<semaphore_mem>>
        tpu.enqueue_dma source(%arg23 : memref<384xf32, #tpu.memory_space<vmem>>) target(%arg16 : memref<384xf32, #tpu.memory_space<hbm>>) target_semaphore(%run_scoped3A : memref<!tpu.dma_semaphore, #tpu.memory_space<semaphore_mem>>)
        tpu.wait_dma2 semaphore(%run_scoped3A : memref<!tpu.dma_semaphore, #tpu.memory_space<semaphore_mem>>) src(%arg23 : memref<384xf32, #tpu.memory_space<vmem>>) dst(%arg16 : memref<384xf32, #tpu.memory_space<hbm>>)
        tpu.yield
      }) : () -> ()
      "tpu.region"() ({
        %run_scoped3A = tpu.sem_alloc : memref<!tpu.dma_semaphore, #tpu.memory_space<semaphore_mem>>
        tpu.enqueue_dma source(%arg25 : memref<4x384xf32, #tpu.memory_space<vmem>>) target(%arg17 : memref<4x384xf32, #tpu.memory_space<hbm>>) target_semaphore(%run_scoped3A : memref<!tpu.dma_semaphore, #tpu.memory_space<semaphore_mem>>)
        tpu.wait_dma2 semaphore(%run_scoped3A : memref<!tpu.dma_semaphore, #tpu.memory_space<semaphore_mem>>) src(%arg25 : memref<4x384xf32, #tpu.memory_space<vmem>>) dst(%arg17 : memref<4x384xf32, #tpu.memory_space<hbm>>)
        tpu.yield
      }) : () -> ()
      "tpu.region"() ({
        %run_scoped3A = tpu.sem_alloc : memref<!tpu.dma_semaphore, #tpu.memory_space<semaphore_mem>>
        tpu.enqueue_dma source(%arg26 : memref<6x384xf32, #tpu.memory_space<vmem>>) target(%arg18 : memref<6x384xf32, #tpu.memory_space<hbm>>) target_semaphore(%run_scoped3A : memref<!tpu.dma_semaphore, #tpu.memory_space<semaphore_mem>>)
        tpu.wait_dma2 semaphore(%run_scoped3A : memref<!tpu.dma_semaphore, #tpu.memory_space<semaphore_mem>>) src(%arg26 : memref<6x384xf32, #tpu.memory_space<vmem>>) dst(%arg18 : memref<6x384xf32, #tpu.memory_space<hbm>>)
        tpu.yield
      }) : () -> ()
    } else {
    }
    return
  }
}

module attributes {stable_mosaic.version = 14 : i64} {
  func.func @_nms_kernel(%arg0: memref<48x128xf32, #tpu.memory_space<vmem>>, %arg1: memref<48x128xf32, #tpu.memory_space<vmem>>, %arg2: memref<48x128xf32, #tpu.memory_space<vmem>>, %arg3: memref<48x128xf32, #tpu.memory_space<vmem>>, %arg4: memref<48x128xf32, #tpu.memory_space<vmem>>, %arg5: memref<48x128xi32, #tpu.memory_space<vmem>>, %arg6: memref<48x128xf32, #tpu.memory_space<vmem>>) attributes {dimension_semantics = [], scalar_prefetch = 0 : i64, scratch_operands = 1 : i64, tpu.core_type = #tpu.core_type<tc>} {
    %iota3A = tpu.iota {dimensions = array<i32: 0>} : vector<48x128xi32>
    %iota3A_0 = tpu.iota {dimensions = array<i32: 1>} : vector<48x128xi32>
    %mul3A = arith.constant 128 : i32
    %mul3A_1 = vector.broadcast %mul3A : i32 to vector<48x128xi32>
    %mul3A_2 = arith.muli %iota3A, %mul3A_1 : vector<48x128xi32>
    %add3A = arith.addi %mul3A_2, %iota3A_0 : vector<48x128xi32>
    %lt3A = arith.constant 6000 : i32
    %lt3A_3 = vector.broadcast %lt3A : i32 to vector<48x128xi32>
    %lt3A_4 = arith.cmpi slt, %add3A, %lt3A_3 : vector<48x128xi32>
    %jit3A = arith.constant 1.000000e+00 : f32
    %jit3A_5 = arith.constant 0.000000e+00 : f32
    %broadcast_in_dim3A = vector.broadcast %jit3A : f32 to vector<48x128xf32>
    %broadcast_in_dim3A_6 = vector.broadcast %jit3A_5 : f32 to vector<48x128xf32>
    %select_n3A = arith.select %lt3A_4, %broadcast_in_dim3A, %broadcast_in_dim3A_6 : vector<48x128xi1>, vector<48x128xf32>
    %swap3A = arith.constant 0 : index
    %swap3A_7 = arith.constant 0 : index
    %swap3A_8 = vector.load %arg6[%swap3A, %swap3A_7] : memref<48x128xf32, #tpu.memory_space<vmem>>, vector<48x128xf32>
    tpu.vector_store %arg6[%swap3A, %swap3A_7], %select_n3A {strides = array<i32>} : memref<48x128xf32, #tpu.memory_space<vmem>>, vector<48x128xf32>,
    %iota3A_9 = tpu.iota {dimensions = array<i32: 0>} : vector<128x128xi32>
    %iota3A_10 = tpu.iota {dimensions = array<i32: 1>} : vector<128x128xi32>
    %eq3A = arith.cmpi eq, %iota3A_9, %iota3A_10 : vector<128x128xi32>
    %convert_element_type3A = arith.extui %eq3A : vector<128x128xi1> to vector<128x128xi32>
    %convert_element_type3A_11 = arith.sitofp %convert_element_type3A : vector<128x128xi32> to vector<128x128xf32>
    %lt3A_12 = arith.cmpi slt, %iota3A_9, %iota3A_10 : vector<128x128xi32>
    %convert_element_type3A_13 = arith.extui %lt3A_12 : vector<128x128xi1> to vector<128x128xi32>
    %convert_element_type3A_14 = arith.sitofp %convert_element_type3A_13 : vector<128x128xi32> to vector<128x128xf32>
    %scan3A = arith.constant 0 : i32
    %scan3A_15 = arith.constant 48 : i32
    %scan3A_16 = arith.addi %scan3A, %scan3A_15 : i32
    %scan3A_17 = arith.constant 1 : i32
    scf.for %scan3A_58 = %scan3A to %scan3A_16 step %scan3A_17  : i32 {
      %get3A_59 = arith.index_cast %scan3A_58 : i32 to index
      %get3A_60 = arith.constant 0 : index
      %get3A_61 = vector.load %arg0[%get3A_59, %get3A_60] : memref<48x128xf32, #tpu.memory_space<vmem>>, vector<1x128xf32>
      %get3A_62 = arith.index_cast %scan3A_58 : i32 to index
      %get3A_63 = arith.constant 0 : index
      %get3A_64 = vector.load %arg1[%get3A_62, %get3A_63] : memref<48x128xf32, #tpu.memory_space<vmem>>, vector<1x128xf32>
      %get3A_65 = arith.index_cast %scan3A_58 : i32 to index
      %get3A_66 = arith.constant 0 : index
      %get3A_67 = vector.load %arg2[%get3A_65, %get3A_66] : memref<48x128xf32, #tpu.memory_space<vmem>>, vector<1x128xf32>
      %get3A_68 = arith.index_cast %scan3A_58 : i32 to index
      %get3A_69 = arith.constant 0 : index
      %get3A_70 = vector.load %arg3[%get3A_68, %get3A_69] : memref<48x128xf32, #tpu.memory_space<vmem>>, vector<1x128xf32>
      %get3A_71 = arith.index_cast %scan3A_58 : i32 to index
      %get3A_72 = arith.constant 0 : index
      %get3A_73 = vector.load %arg4[%get3A_71, %get3A_72] : memref<48x128xf32, #tpu.memory_space<vmem>>, vector<1x128xf32>
      %dot_general3A_74 = arith.constant dense<0.000000e+00> : vector<128x1xf32>
      %dot_general3A_75 = tpu.matmul %convert_element_type3A_11, %get3A_61, %dot_general3A_74 {dimension_numbers = #tpu.dot_dimension_numbers<[1], [1], [0], [0], [0, 0, 1, 0], [], []>, transpose_lhs_hint = false} : vector<128x128xf32>, vector<1x128xf32>, vector<128x1xf32> -> vector<128x1xf32>
      %dot_general3A_76 = arith.constant dense<0.000000e+00> : vector<128x1xf32>
      %dot_general3A_77 = tpu.matmul %convert_element_type3A_11, %get3A_64, %dot_general3A_76 {dimension_numbers = #tpu.dot_dimension_numbers<[1], [1], [0], [0], [0, 0, 1, 0], [], []>, transpose_lhs_hint = false} : vector<128x128xf32>, vector<1x128xf32>, vector<128x1xf32> -> vector<128x1xf32>
      %dot_general3A_78 = arith.constant dense<0.000000e+00> : vector<128x1xf32>
      %dot_general3A_79 = tpu.matmul %convert_element_type3A_11, %get3A_67, %dot_general3A_78 {dimension_numbers = #tpu.dot_dimension_numbers<[1], [1], [0], [0], [0, 0, 1, 0], [], []>, transpose_lhs_hint = false} : vector<128x128xf32>, vector<1x128xf32>, vector<128x1xf32> -> vector<128x1xf32>
      %dot_general3A_80 = arith.constant dense<0.000000e+00> : vector<128x1xf32>
      %dot_general3A_81 = tpu.matmul %convert_element_type3A_11, %get3A_70, %dot_general3A_80 {dimension_numbers = #tpu.dot_dimension_numbers<[1], [1], [0], [0], [0, 0, 1, 0], [], []>, transpose_lhs_hint = false} : vector<128x128xf32>, vector<1x128xf32>, vector<128x1xf32> -> vector<128x1xf32>
      %dot_general3A_82 = arith.constant dense<0.000000e+00> : vector<128x1xf32>
      %dot_general3A_83 = tpu.matmul %convert_element_type3A_11, %get3A_73, %dot_general3A_82 {dimension_numbers = #tpu.dot_dimension_numbers<[1], [1], [0], [0], [0, 0, 1, 0], [], []>, transpose_lhs_hint = false} : vector<128x128xf32>, vector<1x128xf32>, vector<128x1xf32> -> vector<128x1xf32>
      %get3A_84 = arith.index_cast %scan3A_58 : i32 to index
      %get3A_85 = arith.constant 0 : index
      %get3A_86 = vector.load %arg6[%get3A_84, %get3A_85] : memref<48x128xf32, #tpu.memory_space<vmem>>, vector<1x128xf32>
      %max3A = vector.broadcast %dot_general3A_75 : vector<128x1xf32> to vector<128x128xf32>
      %max3A_87 = vector.broadcast %get3A_61 : vector<1x128xf32> to vector<128x128xf32>
      %max3A_88 = arith.maximumf %max3A, %max3A_87 : vector<128x128xf32>
      %max3A_89 = vector.broadcast %dot_general3A_77 : vector<128x1xf32> to vector<128x128xf32>
      %max3A_90 = vector.broadcast %get3A_64 : vector<1x128xf32> to vector<128x128xf32>
      %max3A_91 = arith.maximumf %max3A_89, %max3A_90 : vector<128x128xf32>
      %min3A = vector.broadcast %dot_general3A_79 : vector<128x1xf32> to vector<128x128xf32>
      %min3A_92 = vector.broadcast %get3A_67 : vector<1x128xf32> to vector<128x128xf32>
      %min3A_93 = arith.minimumf %min3A, %min3A_92 : vector<128x128xf32>
      %min3A_94 = vector.broadcast %dot_general3A_81 : vector<128x1xf32> to vector<128x128xf32>
      %min3A_95 = vector.broadcast %get3A_70 : vector<1x128xf32> to vector<128x128xf32>
      %min3A_96 = arith.minimumf %min3A_94, %min3A_95 : vector<128x128xf32>
      %sub3A_97 = arith.subf %min3A_93, %max3A_88 : vector<128x128xf32>
      %add3A_98 = arith.constant 1.000000e+00 : f32
      %add3A_99 = vector.broadcast %add3A_98 : f32 to vector<128x128xf32>
      %add3A_100 = arith.addf %sub3A_97, %add3A_99 : vector<128x128xf32>
      %max3A_101 = arith.constant 0.000000e+00 : f32
      %max3A_102 = vector.broadcast %max3A_101 : f32 to vector<128x128xf32>
      %max3A_103 = arith.maximumf %max3A_102, %add3A_100 : vector<128x128xf32>
      %sub3A_104 = arith.subf %min3A_96, %max3A_91 : vector<128x128xf32>
      %add3A_105 = arith.constant 1.000000e+00 : f32
      %add3A_106 = vector.broadcast %add3A_105 : f32 to vector<128x128xf32>
      %add3A_107 = arith.addf %sub3A_104, %add3A_106 : vector<128x128xf32>
      %max3A_108 = arith.constant 0.000000e+00 : f32
      %max3A_109 = vector.broadcast %max3A_108 : f32 to vector<128x128xf32>
      %max3A_110 = arith.maximumf %max3A_109, %add3A_107 : vector<128x128xf32>
      %mul3A_111 = arith.mulf %max3A_103, %max3A_110 : vector<128x128xf32>
      %add3A_112 = vector.broadcast %dot_general3A_83 : vector<128x1xf32> to vector<128x128xf32>
      %add3A_113 = vector.broadcast %get3A_73 : vector<1x128xf32> to vector<128x128xf32>
      %add3A_114 = arith.addf %add3A_112, %add3A_113 : vector<128x128xf32>
      %sub3A_115 = arith.subf %add3A_114, %mul3A_111 : vector<128x128xf32>
      %div3A = arith.divf %mul3A_111, %sub3A_115 : vector<128x128xf32>
      %gt3A_116 = arith.constant 0.699999988 : f32
      %gt3A_117 = vector.broadcast %gt3A_116 : f32 to vector<128x128xf32>
      %gt3A_118 = arith.cmpf ogt, %div3A, %gt3A_117 : vector<128x128xf32>
      %convert_element_type3A_119 = arith.extui %gt3A_118 : vector<128x128xi1> to vector<128x128xi32>
      %convert_element_type3A_120 = arith.sitofp %convert_element_type3A_119 : vector<128x128xi32> to vector<128x128xf32>
      %mul3A_121 = arith.mulf %convert_element_type3A_120, %convert_element_type3A_14 : vector<128x128xf32>
      %while3A = arith.constant 1 : i32
      %while3A_122:2 = scf.while (%while3A_138 = %get3A_86, %while3A_139 = %while3A) : (vector<1x128xf32>, i32) -> (vector<1x128xf32>, i32) {
        %gt3A_140 = arith.constant 0 : i32
        %gt3A_141 = arith.cmpi sgt, %while3A_139, %gt3A_140 : i32
        scf.condition(%gt3A_141) %while3A_138, %while3A_139 : vector<1x128xf32>, i32
      } do {
      ^bb0(%while3A_138: vector<1x128xf32>, %while3A_139: i32):
        %dot_general3A_140 = arith.constant dense<0.000000e+00> : vector<1x128xf32>
        %dot_general3A_141 = tpu.matmul %while3A_138, %mul3A_121, %dot_general3A_140 {dimension_numbers = #tpu.dot_dimension_numbers<[1], [0], [0], [1], [0, 0, 1, 1], [], []>, transpose_lhs_hint = false} : vector<1x128xf32>, vector<128x128xf32>, vector<1x128xf32> -> vector<1x128xf32>
        %gt3A_142 = arith.constant 0.000000e+00 : f32
        %gt3A_143 = vector.broadcast %gt3A_142 : f32 to vector<1x128xf32>
        %gt3A_144 = arith.cmpf ogt, %dot_general3A_141, %gt3A_143 : vector<1x128xf32>
        %jit3A_145 = arith.constant 0.000000e+00 : f32
        %jit3A_146 = arith.constant 1.000000e+00 : f32
        %broadcast_in_dim3A_147 = vector.broadcast %jit3A_145 : f32 to vector<1x128xf32>
        %broadcast_in_dim3A_148 = vector.broadcast %jit3A_146 : f32 to vector<1x128xf32>
        %select_n3A_149 = arith.select %gt3A_144, %broadcast_in_dim3A_147, %broadcast_in_dim3A_148 : vector<1x128xi1>, vector<1x128xf32>
        %mul3A_150 = arith.mulf %get3A_86, %select_n3A_149 : vector<1x128xf32>
        %ne3A = arith.cmpf one, %mul3A_150, %while3A_138 : vector<1x128xf32>
        %reduce_or3A = arith.constant 1.000000e+00 : f32
        %reduce_or3A_151 = arith.constant 0.000000e+00 : f32
        %reduce_or3A_152 = vector.broadcast %reduce_or3A : f32 to vector<1x128xf32>
        %reduce_or3A_153 = vector.broadcast %reduce_or3A_151 : f32 to vector<1x128xf32>
        %reduce_or3A_154 = arith.select %ne3A, %reduce_or3A_152, %reduce_or3A_153 : vector<1x128xi1>, vector<1x128xf32>
        %reduce_or3A_155 = vector.shape_cast %reduce_or3A_154 : vector<1x128xf32> to vector<1x1x128xf32>
        %reduce_or3A_156 = arith.constant dense<0xFF800000> : vector<1xf32>
        %reduce_or3A_157 = vector.multi_reduction <maximumf>, %reduce_or3A_155, %reduce_or3A_156 [1, 2] : vector<1x1x128xf32> to vector<1xf32>
        %reduce_or3A_158 = vector.shape_cast %reduce_or3A_157 : vector<1xf32> to vector<1x1x1xf32>
        %reduce_or3A_159 = vector.extract %reduce_or3A_158[0, 0, 0] : f32 from vector<1x1x1xf32>
        %reduce_or3A_160 = arith.constant 0.000000e+00 : f32
        %reduce_or3A_161 = arith.cmpf ogt, %reduce_or3A_159, %reduce_or3A_160 : f32
        %convert_element_type3A_162 = arith.extui %reduce_or3A_161 : i1 to i32
        scf.yield %mul3A_150, %convert_element_type3A_162 : vector<1x128xf32>, i32
      }
      %swap3A_123 = arith.index_cast %scan3A_58 : i32 to index
      %swap3A_124 = arith.constant 0 : index
      %swap3A_125 = vector.load %arg6[%swap3A_123, %swap3A_124] : memref<48x128xf32, #tpu.memory_space<vmem>>, vector<1x128xf32>
      tpu.vector_store %arg6[%swap3A_123, %swap3A_124], %while3A_122#0 {strides = array<i32>} : memref<48x128xf32, #tpu.memory_space<vmem>>, vector<1x128xf32>,
      %add3A_126 = arith.constant 1 : i32
      %add3A_127 = arith.addi %scan3A_58, %add3A_126 : i32
      %while3A_128 = arith.constant 0 : i32
      %while3A_129 = arith.constant 48 : i32
      %while3A_130 = arith.subi %while3A_129, %add3A_127 : i32
      %while3A_131 = arith.addi %add3A_127, %while3A_130 : i32
      %while3A_132 = arith.constant 1 : i32
      %while3A_133 = arith.divsi %while3A_130, %while3A_132 : i32
      %while3A_134 = arith.muli %while3A_133, %while3A_132 : i32
      %while3A_135 = arith.addi %add3A_127, %while3A_134 : i32
      %while3A_136 = arith.constant 1 : i32
      scf.for %while3A_138 = %add3A_127 to %while3A_135 step %while3A_136  : i32 {
        %get3A_139 = arith.index_cast %while3A_138 : i32 to index
        %get3A_140 = arith.constant 0 : index
        %get3A_141 = vector.load %arg0[%get3A_139, %get3A_140] : memref<48x128xf32, #tpu.memory_space<vmem>>, vector<1x128xf32>
        %get3A_142 = arith.index_cast %while3A_138 : i32 to index
        %get3A_143 = arith.constant 0 : index
        %get3A_144 = vector.load %arg1[%get3A_142, %get3A_143] : memref<48x128xf32, #tpu.memory_space<vmem>>, vector<1x128xf32>
        %get3A_145 = arith.index_cast %while3A_138 : i32 to index
        %get3A_146 = arith.constant 0 : index
        %get3A_147 = vector.load %arg2[%get3A_145, %get3A_146] : memref<48x128xf32, #tpu.memory_space<vmem>>, vector<1x128xf32>
        %get3A_148 = arith.index_cast %while3A_138 : i32 to index
        %get3A_149 = arith.constant 0 : index
        %get3A_150 = vector.load %arg3[%get3A_148, %get3A_149] : memref<48x128xf32, #tpu.memory_space<vmem>>, vector<1x128xf32>
        %get3A_151 = arith.index_cast %while3A_138 : i32 to index
        %get3A_152 = arith.constant 0 : index
        %get3A_153 = vector.load %arg4[%get3A_151, %get3A_152] : memref<48x128xf32, #tpu.memory_space<vmem>>, vector<1x128xf32>
        %max3A_154 = vector.broadcast %dot_general3A_75 : vector<128x1xf32> to vector<128x128xf32>
        %max3A_155 = vector.broadcast %get3A_141 : vector<1x128xf32> to vector<128x128xf32>
        %max3A_156 = arith.maximumf %max3A_154, %max3A_155 : vector<128x128xf32>
        %max3A_157 = vector.broadcast %dot_general3A_77 : vector<128x1xf32> to vector<128x128xf32>
        %max3A_158 = vector.broadcast %get3A_144 : vector<1x128xf32> to vector<128x128xf32>
        %max3A_159 = arith.maximumf %max3A_157, %max3A_158 : vector<128x128xf32>
        %min3A_160 = vector.broadcast %dot_general3A_79 : vector<128x1xf32> to vector<128x128xf32>
        %min3A_161 = vector.broadcast %get3A_147 : vector<1x128xf32> to vector<128x128xf32>
        %min3A_162 = arith.minimumf %min3A_160, %min3A_161 : vector<128x128xf32>
        %min3A_163 = vector.broadcast %dot_general3A_81 : vector<128x1xf32> to vector<128x128xf32>
        %min3A_164 = vector.broadcast %get3A_150 : vector<1x128xf32> to vector<128x128xf32>
        %min3A_165 = arith.minimumf %min3A_163, %min3A_164 : vector<128x128xf32>
        %sub3A_166 = arith.subf %min3A_162, %max3A_156 : vector<128x128xf32>
        %add3A_167 = arith.constant 1.000000e+00 : f32
        %add3A_168 = vector.broadcast %add3A_167 : f32 to vector<128x128xf32>
        %add3A_169 = arith.addf %sub3A_166, %add3A_168 : vector<128x128xf32>
        %max3A_170 = arith.constant 0.000000e+00 : f32
        %max3A_171 = vector.broadcast %max3A_170 : f32 to vector<128x128xf32>
        %max3A_172 = arith.maximumf %max3A_171, %add3A_169 : vector<128x128xf32>
        %sub3A_173 = arith.subf %min3A_165, %max3A_159 : vector<128x128xf32>
        %add3A_174 = arith.constant 1.000000e+00 : f32
        %add3A_175 = vector.broadcast %add3A_174 : f32 to vector<128x128xf32>
        %add3A_176 = arith.addf %sub3A_173, %add3A_175 : vector<128x128xf32>
        %max3A_177 = arith.constant 0.000000e+00 : f32
        %max3A_178 = vector.broadcast %max3A_177 : f32 to vector<128x128xf32>
        %max3A_179 = arith.maximumf %max3A_178, %add3A_176 : vector<128x128xf32>
        %mul3A_180 = arith.mulf %max3A_172, %max3A_179 : vector<128x128xf32>
        %add3A_181 = vector.broadcast %dot_general3A_83 : vector<128x1xf32> to vector<128x128xf32>
        %add3A_182 = vector.broadcast %get3A_153 : vector<1x128xf32> to vector<128x128xf32>
        %add3A_183 = arith.addf %add3A_181, %add3A_182 : vector<128x128xf32>
        %sub3A_184 = arith.subf %add3A_183, %mul3A_180 : vector<128x128xf32>
        %div3A_185 = arith.divf %mul3A_180, %sub3A_184 : vector<128x128xf32>
        %gt3A_186 = arith.constant 0.699999988 : f32
        %gt3A_187 = vector.broadcast %gt3A_186 : f32 to vector<128x128xf32>
        %gt3A_188 = arith.cmpf ogt, %div3A_185, %gt3A_187 : vector<128x128xf32>
        %convert_element_type3A_189 = arith.extui %gt3A_188 : vector<128x128xi1> to vector<128x128xi32>
        %convert_element_type3A_190 = arith.sitofp %convert_element_type3A_189 : vector<128x128xi32> to vector<128x128xf32>
        %dot_general3A_191 = arith.constant dense<0.000000e+00> : vector<1x128xf32>
        %dot_general3A_192 = tpu.matmul %while3A_122#0, %convert_element_type3A_190, %dot_general3A_191 {dimension_numbers = #tpu.dot_dimension_numbers<[1], [0], [0], [1], [0, 0, 1, 1], [], []>, transpose_lhs_hint = false} : vector<1x128xf32>, vector<128x128xf32>, vector<1x128xf32> -> vector<1x128xf32>
        %get3A_193 = arith.index_cast %while3A_138 : i32 to index
        %get3A_194 = arith.constant 0 : index
        %get3A_195 = vector.load %arg6[%get3A_193, %get3A_194] : memref<48x128xf32, #tpu.memory_space<vmem>>, vector<1x128xf32>
        %gt3A_196 = arith.constant 0.000000e+00 : f32
        %gt3A_197 = vector.broadcast %gt3A_196 : f32 to vector<1x128xf32>
        %gt3A_198 = arith.cmpf ogt, %dot_general3A_192, %gt3A_197 : vector<1x128xf32>
        %jit3A_199 = arith.constant 0.000000e+00 : f32
        %jit3A_200 = arith.constant 1.000000e+00 : f32
        %broadcast_in_dim3A_201 = vector.broadcast %jit3A_199 : f32 to vector<1x128xf32>
        %broadcast_in_dim3A_202 = vector.broadcast %jit3A_200 : f32 to vector<1x128xf32>
        %select_n3A_203 = arith.select %gt3A_198, %broadcast_in_dim3A_201, %broadcast_in_dim3A_202 : vector<1x128xi1>, vector<1x128xf32>
        %mul3A_204 = arith.mulf %get3A_195, %select_n3A_203 : vector<1x128xf32>
        %swap3A_205 = arith.index_cast %while3A_138 : i32 to index
        %swap3A_206 = arith.constant 0 : index
        %swap3A_207 = vector.load %arg6[%swap3A_205, %swap3A_206] : memref<48x128xf32, #tpu.memory_space<vmem>>, vector<1x128xf32>
        tpu.vector_store %arg6[%swap3A_205, %swap3A_206], %mul3A_204 {strides = array<i32>} : memref<48x128xf32, #tpu.memory_space<vmem>>, vector<1x128xf32>,
      }
      %while3A_137 = arith.constant 1 : i32
      scf.for %while3A_138 = %while3A_135 to %while3A_131 step %while3A_137  : i32 {
        %get3A_139 = arith.index_cast %while3A_138 : i32 to index
        %get3A_140 = arith.constant 0 : index
        %get3A_141 = vector.load %arg0[%get3A_139, %get3A_140] : memref<48x128xf32, #tpu.memory_space<vmem>>, vector<1x128xf32>
        %get3A_142 = arith.index_cast %while3A_138 : i32 to index
        %get3A_143 = arith.constant 0 : index
        %get3A_144 = vector.load %arg1[%get3A_142, %get3A_143] : memref<48x128xf32, #tpu.memory_space<vmem>>, vector<1x128xf32>
        %get3A_145 = arith.index_cast %while3A_138 : i32 to index
        %get3A_146 = arith.constant 0 : index
        %get3A_147 = vector.load %arg2[%get3A_145, %get3A_146] : memref<48x128xf32, #tpu.memory_space<vmem>>, vector<1x128xf32>
        %get3A_148 = arith.index_cast %while3A_138 : i32 to index
        %get3A_149 = arith.constant 0 : index
        %get3A_150 = vector.load %arg3[%get3A_148, %get3A_149] : memref<48x128xf32, #tpu.memory_space<vmem>>, vector<1x128xf32>
        %get3A_151 = arith.index_cast %while3A_138 : i32 to index
        %get3A_152 = arith.constant 0 : index
        %get3A_153 = vector.load %arg4[%get3A_151, %get3A_152] : memref<48x128xf32, #tpu.memory_space<vmem>>, vector<1x128xf32>
        %max3A_154 = vector.broadcast %dot_general3A_75 : vector<128x1xf32> to vector<128x128xf32>
        %max3A_155 = vector.broadcast %get3A_141 : vector<1x128xf32> to vector<128x128xf32>
        %max3A_156 = arith.maximumf %max3A_154, %max3A_155 : vector<128x128xf32>
        %max3A_157 = vector.broadcast %dot_general3A_77 : vector<128x1xf32> to vector<128x128xf32>
        %max3A_158 = vector.broadcast %get3A_144 : vector<1x128xf32> to vector<128x128xf32>
        %max3A_159 = arith.maximumf %max3A_157, %max3A_158 : vector<128x128xf32>
        %min3A_160 = vector.broadcast %dot_general3A_79 : vector<128x1xf32> to vector<128x128xf32>
        %min3A_161 = vector.broadcast %get3A_147 : vector<1x128xf32> to vector<128x128xf32>
        %min3A_162 = arith.minimumf %min3A_160, %min3A_161 : vector<128x128xf32>
        %min3A_163 = vector.broadcast %dot_general3A_81 : vector<128x1xf32> to vector<128x128xf32>
        %min3A_164 = vector.broadcast %get3A_150 : vector<1x128xf32> to vector<128x128xf32>
        %min3A_165 = arith.minimumf %min3A_163, %min3A_164 : vector<128x128xf32>
        %sub3A_166 = arith.subf %min3A_162, %max3A_156 : vector<128x128xf32>
        %add3A_167 = arith.constant 1.000000e+00 : f32
        %add3A_168 = vector.broadcast %add3A_167 : f32 to vector<128x128xf32>
        %add3A_169 = arith.addf %sub3A_166, %add3A_168 : vector<128x128xf32>
        %max3A_170 = arith.constant 0.000000e+00 : f32
        %max3A_171 = vector.broadcast %max3A_170 : f32 to vector<128x128xf32>
        %max3A_172 = arith.maximumf %max3A_171, %add3A_169 : vector<128x128xf32>
        %sub3A_173 = arith.subf %min3A_165, %max3A_159 : vector<128x128xf32>
        %add3A_174 = arith.constant 1.000000e+00 : f32
        %add3A_175 = vector.broadcast %add3A_174 : f32 to vector<128x128xf32>
        %add3A_176 = arith.addf %sub3A_173, %add3A_175 : vector<128x128xf32>
        %max3A_177 = arith.constant 0.000000e+00 : f32
        %max3A_178 = vector.broadcast %max3A_177 : f32 to vector<128x128xf32>
        %max3A_179 = arith.maximumf %max3A_178, %add3A_176 : vector<128x128xf32>
        %mul3A_180 = arith.mulf %max3A_172, %max3A_179 : vector<128x128xf32>
        %add3A_181 = vector.broadcast %dot_general3A_83 : vector<128x1xf32> to vector<128x128xf32>
        %add3A_182 = vector.broadcast %get3A_153 : vector<1x128xf32> to vector<128x128xf32>
        %add3A_183 = arith.addf %add3A_181, %add3A_182 : vector<128x128xf32>
        %sub3A_184 = arith.subf %add3A_183, %mul3A_180 : vector<128x128xf32>
        %div3A_185 = arith.divf %mul3A_180, %sub3A_184 : vector<128x128xf32>
        %gt3A_186 = arith.constant 0.699999988 : f32
        %gt3A_187 = vector.broadcast %gt3A_186 : f32 to vector<128x128xf32>
        %gt3A_188 = arith.cmpf ogt, %div3A_185, %gt3A_187 : vector<128x128xf32>
        %convert_element_type3A_189 = arith.extui %gt3A_188 : vector<128x128xi1> to vector<128x128xi32>
        %convert_element_type3A_190 = arith.sitofp %convert_element_type3A_189 : vector<128x128xi32> to vector<128x128xf32>
        %dot_general3A_191 = arith.constant dense<0.000000e+00> : vector<1x128xf32>
        %dot_general3A_192 = tpu.matmul %while3A_122#0, %convert_element_type3A_190, %dot_general3A_191 {dimension_numbers = #tpu.dot_dimension_numbers<[1], [0], [0], [1], [0, 0, 1, 1], [], []>, transpose_lhs_hint = false} : vector<1x128xf32>, vector<128x128xf32>, vector<1x128xf32> -> vector<1x128xf32>
        %get3A_193 = arith.index_cast %while3A_138 : i32 to index
        %get3A_194 = arith.constant 0 : index
        %get3A_195 = vector.load %arg6[%get3A_193, %get3A_194] : memref<48x128xf32, #tpu.memory_space<vmem>>, vector<1x128xf32>
        %gt3A_196 = arith.constant 0.000000e+00 : f32
        %gt3A_197 = vector.broadcast %gt3A_196 : f32 to vector<1x128xf32>
        %gt3A_198 = arith.cmpf ogt, %dot_general3A_192, %gt3A_197 : vector<1x128xf32>
        %jit3A_199 = arith.constant 0.000000e+00 : f32
        %jit3A_200 = arith.constant 1.000000e+00 : f32
        %broadcast_in_dim3A_201 = vector.broadcast %jit3A_199 : f32 to vector<1x128xf32>
        %broadcast_in_dim3A_202 = vector.broadcast %jit3A_200 : f32 to vector<1x128xf32>
        %select_n3A_203 = arith.select %gt3A_198, %broadcast_in_dim3A_201, %broadcast_in_dim3A_202 : vector<1x128xi1>, vector<1x128xf32>
        %mul3A_204 = arith.mulf %get3A_195, %select_n3A_203 : vector<1x128xf32>
        %swap3A_205 = arith.index_cast %while3A_138 : i32 to index
        %swap3A_206 = arith.constant 0 : index
        %swap3A_207 = vector.load %arg6[%swap3A_205, %swap3A_206] : memref<48x128xf32, #tpu.memory_space<vmem>>, vector<1x128xf32>
        tpu.vector_store %arg6[%swap3A_205, %swap3A_206], %mul3A_204 {strides = array<i32>} : memref<48x128xf32, #tpu.memory_space<vmem>>, vector<1x128xf32>,
      }
    }
    %scan3A_18 = arith.constant 48 : i32
    %get3A = arith.constant 0 : index
    %get3A_19 = arith.constant 0 : index
    %get3A_20 = vector.load %arg6[%get3A, %get3A_19] : memref<48x128xf32, #tpu.memory_space<vmem>>, vector<48x128xf32>
    %le3A = arith.cmpi sle, %iota3A_9, %iota3A_10 : vector<128x128xi32>
    %convert_element_type3A_21 = arith.extui %le3A : vector<128x128xi1> to vector<128x128xi32>
    %convert_element_type3A_22 = arith.sitofp %convert_element_type3A_21 : vector<128x128xi32> to vector<128x128xf32>
    %dot_general3A = arith.constant dense<0.000000e+00> : vector<48x128xf32>
    %dot_general3A_23 = tpu.matmul %get3A_20, %convert_element_type3A_22, %dot_general3A {dimension_numbers = #tpu.dot_dimension_numbers<[1], [0], [0], [1], [0, 0, 1, 1], [], []>, transpose_lhs_hint = false} : vector<48x128xf32>, vector<128x128xf32>, vector<48x128xf32> -> vector<48x128xf32>
    %broadcast_in_dim3A_24 = arith.constant 1.000000e+00 : f32
    %broadcast_in_dim3A_25 = vector.broadcast %broadcast_in_dim3A_24 : f32 to vector<128x1xf32>
    %dot_general3A_26 = arith.constant dense<0.000000e+00> : vector<48x1xf32>
    %dot_general3A_27 = tpu.matmul %get3A_20, %broadcast_in_dim3A_25, %dot_general3A_26 {dimension_numbers = #tpu.dot_dimension_numbers<[1], [0], [0], [1], [0, 0, 1, 1], [], []>, transpose_lhs_hint = false} : vector<48x128xf32>, vector<128x1xf32>, vector<48x1xf32> -> vector<48x1xf32>
    %iota3A_28 = tpu.iota {dimensions = array<i32: 0>} : vector<48x48xi32>
    %iota3A_29 = tpu.iota {dimensions = array<i32: 1>} : vector<48x48xi32>
    %lt3A_30 = arith.cmpi slt, %iota3A_29, %iota3A_28 : vector<48x48xi32>
    %convert_element_type3A_31 = arith.extui %lt3A_30 : vector<48x48xi1> to vector<48x48xi32>
    %convert_element_type3A_32 = arith.sitofp %convert_element_type3A_31 : vector<48x48xi32> to vector<48x48xf32>
    %dot_general3A_33 = arith.constant dense<0.000000e+00> : vector<48x1xf32>
    %dot_general3A_34 = tpu.matmul %convert_element_type3A_32, %dot_general3A_27, %dot_general3A_33 {dimension_numbers = #tpu.dot_dimension_numbers<[1], [0], [0], [1], [0, 0, 1, 1], [], []>, transpose_lhs_hint = false} : vector<48x48xf32>, vector<48x1xf32>, vector<48x1xf32> -> vector<48x1xf32>
    %add3A_35 = vector.broadcast %dot_general3A_34 : vector<48x1xf32> to vector<48x128xf32>
    %add3A_36 = arith.addf %dot_general3A_23, %add3A_35 : vector<48x128xf32>
    %broadcast_in_dim3A_37 = arith.constant 1.000000e+00 : f32
    %broadcast_in_dim3A_38 = vector.broadcast %broadcast_in_dim3A_37 : f32 to vector<1x48xf32>
    %dot_general3A_39 = arith.constant dense<0.000000e+00> : vector<1x1xf32>
    %dot_general3A_40 = tpu.matmul %broadcast_in_dim3A_38, %dot_general3A_27, %dot_general3A_39 {dimension_numbers = #tpu.dot_dimension_numbers<[1], [0], [0], [1], [0, 0, 1, 1], [], []>, transpose_lhs_hint = false} : vector<1x48xf32>, vector<48x1xf32>, vector<1x1xf32> -> vector<1x1xf32>
    %mul3A_41 = arith.constant 128 : i32
    %mul3A_42 = vector.broadcast %mul3A_41 : i32 to vector<48x128xi32>
    %mul3A_43 = arith.muli %iota3A, %mul3A_42 : vector<48x128xi32>
    %add3A_44 = arith.addi %mul3A_43, %iota3A_0 : vector<48x128xi32>
    %convert_element_type3A_45 = arith.sitofp %add3A_44 : vector<48x128xi32> to vector<48x128xf32>
    %gt3A = arith.constant 5.000000e-01 : f32
    %gt3A_46 = vector.broadcast %gt3A : f32 to vector<48x128xf32>
    %gt3A_47 = arith.cmpf ogt, %get3A_20, %gt3A_46 : vector<48x128xf32>
    %sub3A = arith.constant 1.000000e+00 : f32
    %sub3A_48 = vector.broadcast %sub3A : f32 to vector<48x128xf32>
    %sub3A_49 = arith.subf %add3A_36, %sub3A_48 : vector<48x128xf32>
    %add3A_50 = vector.broadcast %dot_general3A_40 : vector<1x1xf32> to vector<48x128xf32>
    %add3A_51 = arith.addf %add3A_50, %convert_element_type3A_45 : vector<48x128xf32>
    %sub3A_52 = arith.subf %add3A_51, %add3A_36 : vector<48x128xf32>
    %select_n3A_53 = arith.select %gt3A_47, %sub3A_49, %sub3A_52 : vector<48x128xi1>, vector<48x128xf32>
    %convert_element_type3A_54 = arith.fptosi %select_n3A_53 : vector<48x128xf32> to vector<48x128xi32>
    %swap3A_55 = arith.constant 0 : index
    %swap3A_56 = arith.constant 0 : index
    %swap3A_57 = vector.load %arg5[%swap3A_55, %swap3A_56] : memref<48x128xi32, #tpu.memory_space<vmem>>, vector<48x128xi32>
    tpu.vector_store %arg5[%swap3A_55, %swap3A_56], %convert_element_type3A_54 {strides = array<i32>} : memref<48x128xi32, #tpu.memory_space<vmem>>, vector<48x128xi32>,
    return
  }
}

</mosaic_0001>

<sc_bundles>
// kernel: gather_offload_async_start.1
scs
__scs_entry_jumppad:
0x0: {  	(pc) =	sbr.rel $0x88, $3  }
0x1: {  	(tag) =	ssettag $0x0;
	lr =	simm.s32 $0x1  }
0x2: {  	[smem:$0x3F9C] =	sst lr;
	_ =	strace $0xD0000000  }
0x3: {  	_ = 	snop  }
0x4: {  	_ = 	snop  }
0x5: {  	_ = 	snop  }
0x6: {  	_ = 	snop  }
0x7: {  	_ = 	snop  }
__scs_overlays_trampoline_lowered:
0x8: {  	[smem:$0x3FAB] =	sst s0  }
0x9: {  	[smem:$0x3FAC] =	sst s1  }
0xa: {  	[smem:$0x3FAD] =	sst s2  }
0xb: {  	[smem:$0x3FAE] =	sst s3  }
0xc: {  	[smem:$0x3FAF] =	sst s4  }
0xd: {  	[smem:$0x3FB0] =	sst s5  }
0xe: {  	[smem:$0x3FB1] =	sst s6  }
0xf: {  	[smem:$0x3FB2] =	sst s7  }
0x10: {  	[smem:$0x3FB3] =	sst s8  }
0x11: {  	[smem:$0x3FB4] =	sst s9;
	s0 =	simm.s32 @!p0 $0x0  }
0x12: {  	s1 =	sld [smem:$0x3F9A];
	s0 =	simm.s32 @p0 $0x1  }
0x13: {  	[smem:$0x3FB5] =	sst s0;
	s0 =	simm.s32 @!p1 $0x0  }
0x14: {  	s2 =	sld [smem:$0x3F99];
	s0 =	simm.s32 @p1 $0x1  }
0x15: {  	[smem:$0x3FB6] =	sst s0;
	s0 =	simm.s32 @!p2 $0x0  }
0x16: {  	s3 =	sld [smem:$0x3FDB];
	s0 =	simm.s32 @p2 $0x1  }
0x17: {  	s4 =	simm.s32 $0x1BF5;
	[smem:$0x3FB8] =	sst s0  }
0x18: {  	s0 =	sld [smem:$0x3F9B];
	_ =	swait.ge [sflag:s4], $0x0  }
0x19: {  	s7 =	sld [smem:$0x3F9C]  }
0x1a: {  	s8 =	sadd.s32 $0xFFFFE003, lr  }
0x1b: {  	s9 =	sadd.s32 $0xFFFFFEF7, lr;
	s5 =	simm.s32 $0xFFFFFFFF;
	p2 =	slt.u32 s8, $0xFFFFF086  }
0x1c: {  	p1 =	slt.u32 s9, $0xF7A;
	s5 =	simm.s32 @!p2 $0x0  }
0x1d: {  	s5 =	simm.s32 @p1 $0x1;
	p0 =	seq.s32 s7, s2  }
0x1e: {  	s7 =	smul.u32 @!p0 $0xF7A, s2;
	p2 =	seq.s32 @!p0 s5, $0x0  }
0x1f: {  	s9 =	smul.u32 $0xF7A, s1;
	s8 =	simm.s32 @!p0 $0x1BF5;
	p2 =	por !p2, p0  }
0x20: {  	[sflag:s8] =	ssyncset.s32 @!p0 $0xFFFFF086;
	s6 =	sadd.s32 @!p0 s3, s7;
	s7 =	simm.s32 @!p0 $0x108  }
0x21: {  	s3 =	sadd.s32 s3, s9;
	s6 =	sadd.s32 @!p0 $0x88, s6;
	s7 =	simm.s32 @p2 $0x1082  }
0x22: {  	[simem:s7], [sflag:s8] =	dma.local @!p0 [hbm:s6], $0xF7A  }
0x23: {  	s9 =	sor.u32 $0xD0000000, s2;
	s6 =	simm.s32 $0x108;
	_ =	swait.ge @!p0 [sflag:s8], $0x0  }
0x24: {  	s3 =	sadd.s32 $0x88, s3;
	s6 =	simm.s32 @!p1 $0x1082;
	[sflag:s4] =	ssyncset.s32 $0xFFFFF086  }
0x25: {  	[simem:s6], [sflag:s4] =	dma.local [hbm:s3], $0xF7A  }
0x26: {  	[smem:$0x3F9C] =	sst s1;
	(tag) =	ssettag s2;
	_ =	strace s9  }
0x27: {  	s1 =	sld [smem:$0x3FAC]  }
0x28: {  	s2 =	sld [smem:$0x3FAD]  }
0x29: {  	s4 =	sld [smem:$0x3FAF]  }
0x2a: {  	p0 =	seq.s32 s5, $0x0;
	s5 =	sld [smem:$0x3FB0]  }
0x2b: {  	s6 =	sld [smem:$0x3FB1]  }
0x2c: {  	s7 =	sld [smem:$0x3FB2]  }
0x2d: {  	s3 =	simm.s32 $0x108;
	s8 =	sld [smem:$0x3FB3]  }
0x2e: {  	s3 =	simm.s32 @!p0 $0x1082;
	s9 =	sld [smem:$0x3FB4]  }
0x2f: {  	lr =	sadd.s32 s0, s3;
	s0 =	sld [smem:$0x3FAB]  }
0x30: {  	s3 =	sld [smem:$0x3FAE]  }
0x31: {  	[smem:$0x3FB7] =	sst s10  }
0x32: {  	s10 =	sld [smem:$0x3FB5];
	_ =	sdelay $0x3  }
0x33: {  	p0 =	seq.s32 s10, $0x1;
	s10 =	sld [smem:$0x3FB7];
	_ =	sdelay $0x3  }
0x34: {  	[smem:$0x3FB7] =	sst s10  }
0x35: {  	s10 =	sld [smem:$0x3FB6];
	_ =	sdelay $0x3  }
0x36: {  	p1 =	seq.s32 s10, $0x1;
	s10 =	sld [smem:$0x3FB7];
	_ =	sdelay $0x3  }
0x37: {  	[smem:$0x3FB7] =	sst s10  }
0x38: {  	s10 =	sld [smem:$0x3FB8]  }
0x39: {  	_ = 	snop;
	(pc) =	sbr.ind lr, $3  }
0x3a: {  	_ = 	snop  }
0x3b: {  	_ = 	snop  }
0x3c: {  	p2 =	seq.s32 s10, $0x1;
	s10 =	sld [smem:$0x3FB7]  }
0x3d: {  	_ =	shalt  }
0x3e: {  	_ =	shalt  }
0x3f: {  	_ =	shalt  }
0x40: {  	_ =	shalt  }
0x41: {  	_ =	shalt  }
0x42: {  	_ =	shalt  }
0x43: {  	_ =	shalt  }
0x44: {  	_ =	shalt  }
0x45: {  	_ =	shalt  }
0x46: {  	_ =	shalt  }
0x47: {  	_ =	shalt  }
0x48: {  	_ =	shalt  }
0x49: {  	_ =	shalt  }
0x4a: {  	_ =	shalt  }
0x4b: {  	_ =	shalt  }
0x4c: {  	_ =	shalt  }
0x4d: {  	_ =	shalt  }
0x4e: {  	_ =	shalt  }
0x4f: {  	_ =	shalt  }
0x50: {  	_ =	shalt  }
0x51: {  	_ =	shalt  }
0x52: {  	_ =	shalt  }
0x53: {  	_ =	shalt  }
0x54: {  	_ =	shalt  }
0x55: {  	_ =	shalt  }
0x56: {  	_ =	shalt  }
0x57: {  	_ =	shalt  }
0x58: {  	_ =	shalt  }
0x59: {  	_ =	shalt  }
0x5a: {  	_ =	shalt  }
0x5b: {  	_ =	shalt  }
0x5c: {  	_ =	shalt  }
0x5d: {  	_ =	shalt  }
0x5e: {  	_ =	shalt  }
0x5f: {  	_ =	shalt  }
0x60: {  	_ =	shalt  }
0x61: {  	_ =	shalt  }
0x62: {  	_ =	shalt  }
0x63: {  	_ =	shalt  }
0x64: {  	_ =	shalt  }
0x65: {  	_ =	shalt  }
0x66: {  	_ =	shalt  }
0x67: {  	_ =	shalt  }
0x68: {  	_ =	shalt  }
0x69: {  	_ =	shalt  }
0x6a: {  	_ =	shalt  }
0x6b: {  	_ =	shalt  }
0x6c: {  	_ =	shalt  }
0x6d: {  	_ =	shalt  }
0x6e: {  	_ =	shalt  }
0x6f: {  	_ =	shalt  }
0x70: {  	_ =	shalt  }
0x71: {  	_ =	shalt  }
0x72: {  	_ =	shalt  }
0x73: {  	_ =	shalt  }
0x74: {  	_ =	shalt  }
0x75: {  	_ =	shalt  }
0x76: {  	_ =	shalt  }
0x77: {  	_ =	shalt  }
0x78: {  	_ =	shalt  }
0x79: {  	_ =	shalt  }
0x7a: {  	_ =	shalt  }
0x7b: {  	_ =	shalt  }
0x7c: {  	_ =	shalt  }
0x7d: {  	_ =	shalt  }
0x7e: {  	_ =	shalt  }
0x7f: {  	_ =	shalt  }
0x80: {  	_ =	shalt  }
0x81: {  	_ =	shalt  }
0x82: {  	_ =	shalt  }
0x83: {  	_ =	shalt  }
0x84: {  	_ =	shalt  }
0x85: {  	_ =	shalt  }
0x86: {  	_ =	shalt  }
0x87: {  	_ =	shalt  }
.Lfunc_end0:
.L_simem_size_0:
called_computation.1_lowered:
.L_overlay_start_0:
0x88: {  	s0 =	sld [smem:$0x3FD9]  }
0x89: {  	s1 =	sld [smem:$0x3FFE];
	_ =	sdelay $0x3  }
0x8a: {  	s0 =	sadd.s32 s1, s0  }
0x8b: {  	[smem:$0x3FC3] =	sst s0  }
0x8c: {  	_ = 	snop  }
0x8d: {  	(tm) =	ssettm $0x1  }
0x8e: {  	s15 =	sld [smem:$0x3FFB];
	_ =	sdelay $0x3  }
0x8f: {  	_ =	strace s15  }
0x90: {  	s0 =	sld [smem:$0x3FFC];
	_ =	sdelay $0x3  }
0x91: {  	_ =	strace s0  }
0x92: {  	s0 =	sld [smem:$0x3FFD];
	_ =	sdelay $0x3  }
0x93: {  	_ =	strace s0  }
0x94: {  	_ =	strace $0x8FFFFFFF  }
0x95: {  	s16 =	sld [smem:$0x3FDB];
	_ =	sdelay $0x1  }
0x96: {  	s17 =	simm.s32 $_scs_section_size  }
0x97: {  	s2 =	simm.s32 $_size__tile_overlayer_lowered;
	s3 =	simm.s32 $_tile_overlayer_lowered  }
0x98: {  	s20 =	simm.s32 $0x1BFF;
	s19 =	sshll.u32 s3, $0x1;
	s0 =	sadd.s32 s17, s16  }
0x99: {  	s4 =	simm.s32 $0x0;
	s18 =	sshll.u32 s2, $0x1;
	s2 =	sadd.s32 s19, s0  }
0x9a: {  	[timem:s4], [sflag:s20] =	dma.local [hbm:s2], s18  }
0x9b: {  	_ =	swait.ge [sflag:s20], s18  }
0x9c: {  	s1 =	ssub.s32 $0x0, s18;
	[sflag:s20] =	ssyncset.done $0x0  }
0x9d: {  	[sflag:s20] =	ssyncadd.s32 s1;
	_ =	sdelay $0x1  }
0x9e: {  	s21 =	simm.s32 $0x1B8B  }
0x9f: {  	_ =	swait.ge [sflag:s21], $0x1  }
0xa0: {  	[sflag:s21] =	ssyncset.done $0x0  }
0xa1: {  	s23 =	simm.s32 $0x1B8E;
	s22 =	sld [smem:$0x3FFE];
	[sflag:s21] =	ssyncadd.s32 $0xFFFFFFFF  }
0xa2: {  	s24 =	simm.s32 $execute0_lowered;
	[smem:$0x3FD2] =	sst s23  }
0xa3: {  	s2 =	sshll.u32 s24, $0x1;
	_ =	strace $0x80000049;
	[dreg:$0x1] =	wrdreg $0xFFFFFFFF  }
0xa4: {  	s25 =	simm.s32 $_size_execute0_lowered;
	s0 =	sadd.s32 s0, s2;
	[dreg:$0x0] =	wrdreg $0x0  }
0xa5: {  	s2 =	sshll.u32 s25, $0x1;
	[dreg:$0x2] =	wrdreg s0  }
0xa6: {  	[dreg:$0x3] =	wrdreg s2  }
0xa7: {  	[dreg:$0x4] =	wrdreg $0xC0  }
0xa8: {  	_ =	task [dreg:s4], $0x5FFFF  }
0xa9: {  	[dreg:$0x1] =	wrdreg $0xFFFFFFFF  }
0xaa: {  	[dreg:$0x0] =	wrdreg $0x60  }
0xab: {  	[dreg:$0x2] =	wrdreg s22  }
0xac: {  	[dreg:$0x3] =	wrdreg $0xA  }
0xad: {  	_ =	task.clear_ibuf [dreg:s4], $0x4FFFF;
	_ =	strace $0x90000049  }
0xae: {  	s26 =	simm.s32 $0xA;
	_ =	strace $0x8000004B  }
0xaf: {  	_ =	swait.ge [sflag:s26], $0x1  }
0xb0: {  	[sflag:s26] =	ssyncadd.s32 $0xFFFFFFFF  }
0xb1: {  	_ =	strace $0x9000004B  }
0xb2: {  	_ =	sfence  }
0xb3: {  	s28 =	sld [smem:$0x0];
	_ =	sdelay $0x1  }
0xb4: {  	s29 =	srdreg.scid  }
0xb5: {  	s30 =	sshll.u32 s29, $0xD;
	s31 =	sshrl.u32 s29, $0x2  }
0xb6: {  	s1 =	sand.u32 $0x1, s29;
	s2 =	sand.u32 $0x4000, s30;
	s0 =	sadd.s32 s31, s28  }
0xb7: {  	s1 =	sor.u32 s2, s1;
	s0 =	sshll.u32 s0, $0x11  }
0xb8: {  	s0 =	sor.u32 s0, s1  }
0xb9: {  	s0 =	sadd.s32 $0x8F2B, s0  }
0xba: {  	[sflag:s0] =	ssyncadd.remote.s32 $0x1  }
0xbb: {  	_ =	sfence.sel $0xFFFF  }
0xbc: {  	[dreg:$0x0] =	wrdreg $0xFFFFFFFF;
	(pc) =	sbr.abs _section_cstart, $3  }
0xbd: {  	[dreg:$0x1] =	wrdreg $0xFFFFFFFF  }
0xbe: {  	_ =	task.clear_ibuf [dreg:s4], $0x2FFFF;
	_ =	strace $0x9FFFFFFF  }
0xbf: {  	(tm) =	ssettm $0x7FFFFFFF  }
tec
execute0_lowered:
.L_overlay_start_1:
0x0: {  	(tag) =	ssettag $0x1  }
0x1: {  	s0 =	stileid.u32  }
0x2: {  	s1 =	smin.u32 s0, $0xE  }
0x3: {  	s1 =	sadd.s32 s0, s1  }
0x4: {  	s2 =	simm.s32 $0x190;
	p0 =	slt.u32 s0, $0xE;
	s1 =	smul.u32 $0xC8, s1  }
0x5: {  	s2 =	simm.s32 @!p0 $0xC8  }
0x6: {  	s2 =	sadd.s32 s2, s1  }
0x7: {  	s3 =	smin.u32 s2, $0x1770  }
0x8: {  	s7 =	ssub.s32 s3, s1  }
0x9: {  	p0 =	sgt.s32 s7, $0x0  }
0xa: {  	s7 =	simm.s32 @!p0 $0x0  }
0xb: {  	s31 =	sand.u32 $0xFFF8, s7  }
0xc: {  	s2 =	sshrl.u32 s31, $0x3  }
0xd: {  	s2 =	smul.u32 $0x147B, s2  }
0xe: {  	s9 =	rddreg [dreg:$0x0];
	s6 =	simm.s32 $0x1;
	s11 =	simm.s32 $0x3  }
0xf: {  	s13 =	simm.s32 $0x0;
	s12 =	simm.s32 $0x0;
	s8 =	sshrl.u32 s2, $0x11  }
0x10: {  	s4 =	sadd.s32 $0x6DC00, s9;
	s5 =	sadd.s32 $0x800, s9;
	s10 =	smul.u32 $0xC8, s8  }
.Ltmp0:
0x11: {  	s9 =	sadd.s32 $0xBEC00, s9;
	s2 =	rddreg [dreg:$0x1];
	(pc) =	sbr.rel .LBB2_1-.Ltmp0, $4  }
0x12: {  	_ =	strace $0x8000004A;
	p0 =	sne.s32 s7, s10;
	s10 =	simm.s32 $0x1  }
0x13: {  	[sflag:s6] =	ssyncpa.u1 $0x0;
	s7 =	simm.s32 $0x2;
	s10 =	simm.s32 @!p0 $0x0  }
0x14: {  	[sflag:s7] =	ssyncpa.u1 $0x0;
	p0 =	por $0x0, $0x0;
	s8 =	sadd.s32 s8, s10  }
0x15: {  	vm0 =	vmmov $0xff;
	vm1 =	vcmask $0x3F20;
	[sflag:s11] =	ssyncpa.u1 $0x0;
	s11 =	smov.u32 s1;
	s10 =	sadd.s32 $0x1, s8  }
.LBB2_6:
0x16: {  	[hbm:s17] =	stream.linear.scatter [tilespmem:s14], [sflag:$0x3], $0x400, $0x38;
	[tilespmem:$0xC990] =	vst v63  }
.LBB2_7:
0x17: {  	s13 =	sadd.s32 $0xC8, s11  }
0x18: {  	s15 =	smov.u32 s1;
	p2 =	slt.s32 s13, s3  }
0x19: {  	s15 =	smov.u32 @p2 s13;
	p2 =	sne.s32 s12, s10  }
.Ltmp1:
0x1a: {  	p1 =	slt.u32 s12, $0x2;
	(pc) =	sbr.rel @!p2 .LBB2_8-.Ltmp1, $4  }
0x1b: {  	s14 =	simm.s32 @!p1 $0x3  }
0x1c: {  	s16 =	sadd.s32 $0x1, s12;
	_ =	swait.ge @!p1 [sflag:s14], $0x6400  }
0x1d: {  	p0 =	por !p0, !p0;
	s13 =	smov.u32 s11;
	[sflag:s14] =	ssyncset.done @!p1 $0x0  }
0x1e: {  	s12 =	smov.u32 s16;
	s11 =	smov.u32 s15;
	[sflag:s14] =	ssyncadd.s32 @!p1 $0xFFFF9C00  }
.LBB2_1:
0x1f: {  	p1 =	sge.u32 s12, s8  }
0x20: {  	s14 =	sxor.u32 @!p1 $0xFFFFFFFF, s12  }
0x21: {  	s14 =	sand.u32 @!p1 $0x1, s14  }
0x22: {  	s14 =	smul.u32 @!p1 $0x320, s14  }
0x23: {  	s31 =	sadd.s32 $0xFFFFFFFF, s12;
	s15 =	sshrl.u32 @!p1 s11, $0x3  }
0x24: {  	s16 =	sand.u32 @!p1 $0x7, s11;
	s15 =	sadd.s32 @!p1 s5, s15;
	s14 =	sshrl.u32 @!p1 s14, $0x2  }
0x25: {  	[tilespmem:s14], [sflag:$0x2] =	stream.linear.gather @!p1 [hbm4b:s15+s16], $0xC8, $0x38;
	[tilespmem:$0xC990] =	vst v63  }
0x26: {  	p1 =	sge.u32 s31, s8  }
.Ltmp2:
0x27: {  	_ = 	snop;
	(pc) =	sbr.rel @p1 .LBB2_7-.Ltmp2, $1  }
0x28: {  	_ =	sdelay $0x3  }
0x29: {  	s14 =	simm.s32 $0x1  }
0x2a: {  	s14 =	simm.s32 @!p0 $0x0  }
0x2b: {  	s15 =	smul.u32 $0x320, s14  }
0x2c: {  	_ =	swait.ge [sflag:s7], $0xC8  }
0x2d: {  	[sflag:s7] =	ssyncset.done $0x0;
	s16 =	sshrl.u32 s15, $0x2  }
0x2e: {  	[sflag:s7] =	ssyncadd.s32 $0xFFFFFF38;
	s15 =	sadd.s32 $0x0, s16  }
0x2f: {  	v0 =	vld.msk [tilespmem:s15+$0x0 ss:$0x1], $0xffff;
	_ =	sdelay $0x4  }
0x30: {  	vm2 =	vgt.s32 v0, $0x0  }
0x31: {  	v0 =	vnsel vm2, $0x0, v0  }
0x32: {  	v0 =	vmin.u32 v0, $0x50FF  }
0x33: {  	v0 =	vshll.u32 v0, $0x4  }
0x34: {  	s14 =	smul.u32 $0x19000, s14  }
0x35: {  	s31 =	sand.u32 $0x1, s12  }
0x36: {  	s17 =	smul.u32 $0x320, s31;
	s14 =	sshrl.u32 s14, $0x2  }
0x37: {  	s19 =	smul.u32 $0x19000, s31;
	s14 =	sor.u32 $0x190, s14  }
0x38: {  	[tilespmem:s14], [sflag:$0x1] =	stream.indirect_vreg.gather [hbm:s4], $0x80, v0, vm0, $0x38;
	[tilespmem:$0xC990] =	vst v63  }
0x39: {  	s18 =	sshrl.u32 s17, $0x2;
	s20 =	sadd.s32 $0x10, s16;
	s15 =	sadd.s32 $0x400, s14  }
0x3a: {  	[tilespmem:s15], [sflag:$0x1] =	stream.indirect_vreg.gather [hbm:s4], $0x80, v0, vm1, $0x38;
	[tilespmem:$0xC990] =	vst v63  }
0x3b: {  	s17 =	sshrl.u32 s19, $0x2;
	s19 =	smov.u32 s14;
	v0 =	vld.msk [tilespmem:s20+$0x0 ss:$0x1], $0xffff;
	s20 =	simm.s32 $0x80  }
.LBB2_3:
0x3c: {  	p1 =	sne.s32 s20, $0x2C0;
	_ =	sdelay $0x4  }
0x3d: {  	vm2 =	vgt.s32 v0, $0x0  }
0x3e: {  	v0 =	vnsel vm2, $0x0, v0  }
0x3f: {  	v0 =	vmin.u32 v0, $0x50FF  }
0x40: {  	v0 =	vshll.u32 v0, $0x4;
	_ =	sdelay $0x3  }
.Ltmp3:
0x41: {  	s21 =	sshra.s32 s20, $0x2;
	s19 =	sadd.s32 $0x800, s19;
	(pc) =	sbr.rel @p1 .LBB2_3-.Ltmp3, $4  }
0x42: {  	[tilespmem:s19], [sflag:$0x1] =	stream.indirect_vreg.gather [hbm:s4], $0x80, v0, vm0, $0x38;
	[tilespmem:$0xC990] =	vst v63  }
0x43: {  	s21 =	sadd.s32 s21, s16;
	s22 =	sadd.s32 $0x400, s19  }
0x44: {  	[tilespmem:s22], [sflag:$0x1] =	stream.indirect_vreg.gather [hbm:s4], $0x80, v0, vm1, $0x38;
	[tilespmem:$0xC990] =	vst v63  }
0x45: {  	s20 =	sadd.s32 $0x40, s20;
	v0 =	vld.msk [tilespmem:s21+$0x0 ss:$0x1], $0xffff  }
0x46: {  	_ =	sdelay $0x3  }
0x47: {  	vm2 =	vgt.s32 v0, $0x0  }
0x48: {  	v0 =	vnsel vm2, $0x0, v0  }
0x49: {  	v0 =	vmin.u32 v0, $0x50FF  }
0x4a: {  	v0 =	vshll.u32 v0, $0x4;
	_ =	sdelay $0x3  }
0x4b: {  	s16 =	sadd.s32 $0x800, s19  }
0x4c: {  	[tilespmem:s16], [sflag:$0x1] =	stream.indirect_vreg.gather [hbm:s4], $0x80, v0, vm0, $0x38;
	[tilespmem:$0xC990] =	vst v63  }
0x4d: {  	s16 =	sadd.s32 $0x400, s16  }
0x4e: {  	[tilespmem:s16], [sflag:$0x1] =	stream.indirect_vreg.gather [hbm:s4], $0x80, v0, vm1, $0x38;
	[tilespmem:$0xC990] =	vst v63  }
0x4f: {  	v0 =	vld.msk [tilespmem:s18+$0xC0 ss:$0x1], $0xff;
	_ =	sdelay $0x4  }
0x50: {  	vm2 =	vgt.s32 v0, $0x0  }
0x51: {  	v0 =	vnsel vm2, $0x0, v0  }
0x52: {  	v0 =	vmin.u32 v0, $0x50FF  }
0x53: {  	v0 =	vshll.u32 v0, $0x4;
	_ =	sdelay $0x3  }
0x54: {  	s31 =	sadd.s32 $0x6190, s17  }
0x55: {  	[tilespmem:s31], [sflag:$0x1] =	stream.indirect_vreg.gather [hbm:s4], $0x80, v0, vm0, $0x38;
	[tilespmem:$0xC990] =	vst v63  }
0x56: {  	s13 =	sshll.u32 s13, $0x4;
	_ =	swait.ge [sflag:s6], $0x6400  }
0x57: {  	s13 =	sadd.s32 s13, s9;
	[sflag:s6] =	ssyncset.done $0x0  }
0x58: {  	s17 =	sadd.s32 $0x0, s13;
	s16 =	simm.s32 $0x80;
	[sflag:s6] =	ssyncadd.s32 $0xFFFF9C00  }
.LBB2_5:
0x59: {  	[hbm:s17] =	stream.linear.scatter [tilespmem:s14], [sflag:$0x3], $0x400, $0x38;
	[tilespmem:$0xC990] =	vst v63  }
0x5a: {  	s17 =	smov.u32 s16;
	s14 =	smov.u32 s15;
	p1 =	sne.s32 s16, $0xC00  }
.Ltmp4:
0x5b: {  	s16 =	sadd.s32 $0x80, s16;
	(pc) =	sbr.rel @p1 .LBB2_5-.Ltmp4, $2  }
0x5c: {  	_ =	sdelay $0x2  }
0x5d: {  	s15 =	sadd.s32 $0x400, s15;
	s17 =	sadd.s32 s17, s13  }
.Ltmp5:
0x5e: {  	_ = 	snop;
	(pc) =	sbr.rel .LBB2_6-.Ltmp5, $1  }
0x5f: {  	_ =	sdelay $0x3  }
.LBB2_8:
0x60: {  	_ =	sfence.sel $0x180000  }
0x61: {  	s1 =	simm.s32 $0x2;
	[bflag:$0x0] =	sbarrier.arrive $0xFFFF  }
0x62: {  	s30 =	simm.s32 $0x3;
	[sflag:s1] =	ssyncpa.u1 $0x1  }
0x63: {  	s31 =	simm.s32 $0x1;
	[sflag:s30] =	ssyncpa.u1 $0x1  }
0x64: {  	[sflag:s31] =	ssyncpa.u1 $0x1  }
0x65: {  	p0 =	sne.s32 s0, $0x0;
	_ =	strace $0x9000004A  }
0x66: {  	s0 =	sadd.s32 @!p0 $0x100000, s2;
	[bflag:$0x2] =	sbarrier.arrive $0xFFFF  }
0x67: {  	[sflag:s0] =	ssyncadd.tile.s32 @!p0 $0x1;
	_ =	shalt  }
.Lfunc_end2:
_tile_overlayer_lowered:
.L_overlay_start_2:
0x68: {  	(tag) =	ssettag $0x2  }
0x69: {  	s0 =	rddreg [dreg:$0x0];
	s2 =	stileid.u32  }
0x6a: {  	s1 =	rddreg [dreg:$0x1];
	p0 =	sne.s32 s2, $0x0  }
0x6b: {  	s3 =	rddreg [dreg:$0x2];
	[bflag:$0x3] =	sbarrier.arrive $0xFFFF;
	s2 =	simm.s32 @!p0 $0x1C01  }
0x6c: {  	[timem:s3], [sflag:s2] =	dma.local @!p0 [hbm:s0], s1  }
0x6d: {  	s0 =	simm.s32 @!p0 $0x1  }
0x6e: {  	_ =	swait.ge @!p0 [sflag:s0], s1  }
0x6f: {  	s1 =	ssub.s32 @!p0 $0x0, s1;
	[sflag:s0] =	ssyncset.done @!p0 $0x0  }
0x70: {  	[sflag:s0] =	ssyncadd.s32 @!p0 s1  }
0x71: {  	[bflag:$0x3] =	sbarrier.arrive $0xFFFF  }
0x72: {  	_ =	shalt  }

// kernel: gather_offload_async_start
scs
__scs_entry_jumppad:
0x0: {  	(pc) =	sbr.rel $0x88, $3  }
0x1: {  	(tag) =	ssettag $0x0;
	lr =	simm.s32 $0x1  }
0x2: {  	[smem:$0x3F9C] =	sst lr;
	_ =	strace $0xD0000000  }
0x3: {  	_ = 	snop  }
0x4: {  	_ = 	snop  }
0x5: {  	_ = 	snop  }
0x6: {  	_ = 	snop  }
0x7: {  	_ = 	snop  }
__scs_overlays_trampoline_lowered:
0x8: {  	[smem:$0x3FAB] =	sst s0  }
0x9: {  	[smem:$0x3FAC] =	sst s1  }
0xa: {  	[smem:$0x3FAD] =	sst s2  }
0xb: {  	[smem:$0x3FAE] =	sst s3  }
0xc: {  	[smem:$0x3FAF] =	sst s4  }
0xd: {  	[smem:$0x3FB0] =	sst s5  }
0xe: {  	[smem:$0x3FB1] =	sst s6  }
0xf: {  	[smem:$0x3FB2] =	sst s7  }
0x10: {  	[smem:$0x3FB3] =	sst s8  }
0x11: {  	[smem:$0x3FB4] =	sst s9;
	s0 =	simm.s32 @!p0 $0x0  }
0x12: {  	s1 =	sld [smem:$0x3F9A];
	s0 =	simm.s32 @p0 $0x1  }
0x13: {  	[smem:$0x3FB5] =	sst s0;
	s0 =	simm.s32 @!p1 $0x0  }
0x14: {  	s2 =	sld [smem:$0x3F99];
	s0 =	simm.s32 @p1 $0x1  }
0x15: {  	[smem:$0x3FB6] =	sst s0;
	s0 =	simm.s32 @!p2 $0x0  }
0x16: {  	s3 =	sld [smem:$0x3FDB];
	s0 =	simm.s32 @p2 $0x1  }
0x17: {  	s4 =	simm.s32 $0x1BF5;
	[smem:$0x3FB8] =	sst s0  }
0x18: {  	s0 =	sld [smem:$0x3F9B];
	_ =	swait.ge [sflag:s4], $0x0  }
0x19: {  	s7 =	sld [smem:$0x3F9C]  }
0x1a: {  	s8 =	sadd.s32 $0xFFFFE003, lr  }
0x1b: {  	s9 =	sadd.s32 $0xFFFFFEF7, lr;
	s5 =	simm.s32 $0xFFFFFFFF;
	p2 =	slt.u32 s8, $0xFFFFF086  }
0x1c: {  	p1 =	slt.u32 s9, $0xF7A;
	s5 =	simm.s32 @!p2 $0x0  }
0x1d: {  	s5 =	simm.s32 @p1 $0x1;
	p0 =	seq.s32 s7, s2  }
0x1e: {  	s7 =	smul.u32 @!p0 $0xF7A, s2;
	p2 =	seq.s32 @!p0 s5, $0x0  }
0x1f: {  	s9 =	smul.u32 $0xF7A, s1;
	s8 =	simm.s32 @!p0 $0x1BF5;
	p2 =	por !p2, p0  }
0x20: {  	[sflag:s8] =	ssyncset.s32 @!p0 $0xFFFFF086;
	s6 =	sadd.s32 @!p0 s3, s7;
	s7 =	simm.s32 @!p0 $0x108  }
0x21: {  	s3 =	sadd.s32 s3, s9;
	s6 =	sadd.s32 @!p0 $0x88, s6;
	s7 =	simm.s32 @p2 $0x1082  }
0x22: {  	[simem:s7], [sflag:s8] =	dma.local @!p0 [hbm:s6], $0xF7A  }
0x23: {  	s9 =	sor.u32 $0xD0000000, s2;
	s6 =	simm.s32 $0x108;
	_ =	swait.ge @!p0 [sflag:s8], $0x0  }
0x24: {  	s3 =	sadd.s32 $0x88, s3;
	s6 =	simm.s32 @!p1 $0x1082;
	[sflag:s4] =	ssyncset.s32 $0xFFFFF086  }
0x25: {  	[simem:s6], [sflag:s4] =	dma.local [hbm:s3], $0xF7A  }
0x26: {  	[smem:$0x3F9C] =	sst s1;
	(tag) =	ssettag s2;
	_ =	strace s9  }
0x27: {  	s1 =	sld [smem:$0x3FAC]  }
0x28: {  	s2 =	sld [smem:$0x3FAD]  }
0x29: {  	s4 =	sld [smem:$0x3FAF]  }
0x2a: {  	p0 =	seq.s32 s5, $0x0;
	s5 =	sld [smem:$0x3FB0]  }
0x2b: {  	s6 =	sld [smem:$0x3FB1]  }
0x2c: {  	s7 =	sld [smem:$0x3FB2]  }
0x2d: {  	s3 =	simm.s32 $0x108;
	s8 =	sld [smem:$0x3FB3]  }
0x2e: {  	s3 =	simm.s32 @!p0 $0x1082;
	s9 =	sld [smem:$0x3FB4]  }
0x2f: {  	lr =	sadd.s32 s0, s3;
	s0 =	sld [smem:$0x3FAB]  }
0x30: {  	s3 =	sld [smem:$0x3FAE]  }
0x31: {  	[smem:$0x3FB7] =	sst s10  }
0x32: {  	s10 =	sld [smem:$0x3FB5];
	_ =	sdelay $0x3  }
0x33: {  	p0 =	seq.s32 s10, $0x1;
	s10 =	sld [smem:$0x3FB7];
	_ =	sdelay $0x3  }
0x34: {  	[smem:$0x3FB7] =	sst s10  }
0x35: {  	s10 =	sld [smem:$0x3FB6];
	_ =	sdelay $0x3  }
0x36: {  	p1 =	seq.s32 s10, $0x1;
	s10 =	sld [smem:$0x3FB7];
	_ =	sdelay $0x3  }
0x37: {  	[smem:$0x3FB7] =	sst s10  }
0x38: {  	s10 =	sld [smem:$0x3FB8]  }
0x39: {  	_ = 	snop;
	(pc) =	sbr.ind lr, $3  }
0x3a: {  	_ = 	snop  }
0x3b: {  	_ = 	snop  }
0x3c: {  	p2 =	seq.s32 s10, $0x1;
	s10 =	sld [smem:$0x3FB7]  }
0x3d: {  	_ =	shalt  }
0x3e: {  	_ =	shalt  }
0x3f: {  	_ =	shalt  }
0x40: {  	_ =	shalt  }
0x41: {  	_ =	shalt  }
0x42: {  	_ =	shalt  }
0x43: {  	_ =	shalt  }
0x44: {  	_ =	shalt  }
0x45: {  	_ =	shalt  }
0x46: {  	_ =	shalt  }
0x47: {  	_ =	shalt  }
0x48: {  	_ =	shalt  }
0x49: {  	_ =	shalt  }
0x4a: {  	_ =	shalt  }
0x4b: {  	_ =	shalt  }
0x4c: {  	_ =	shalt  }
0x4d: {  	_ =	shalt  }
0x4e: {  	_ =	shalt  }
0x4f: {  	_ =	shalt  }
0x50: {  	_ =	shalt  }
0x51: {  	_ =	shalt  }
0x52: {  	_ =	shalt  }
0x53: {  	_ =	shalt  }
0x54: {  	_ =	shalt  }
0x55: {  	_ =	shalt  }
0x56: {  	_ =	shalt  }
0x57: {  	_ =	shalt  }
0x58: {  	_ =	shalt  }
0x59: {  	_ =	shalt  }
0x5a: {  	_ =	shalt  }
0x5b: {  	_ =	shalt  }
0x5c: {  	_ =	shalt  }
0x5d: {  	_ =	shalt  }
0x5e: {  	_ =	shalt  }
0x5f: {  	_ =	shalt  }
0x60: {  	_ =	shalt  }
0x61: {  	_ =	shalt  }
0x62: {  	_ =	shalt  }
0x63: {  	_ =	shalt  }
0x64: {  	_ =	shalt  }
0x65: {  	_ =	shalt  }
0x66: {  	_ =	shalt  }
0x67: {  	_ =	shalt  }
0x68: {  	_ =	shalt  }
0x69: {  	_ =	shalt  }
0x6a: {  	_ =	shalt  }
0x6b: {  	_ =	shalt  }
0x6c: {  	_ =	shalt  }
0x6d: {  	_ =	shalt  }
0x6e: {  	_ =	shalt  }
0x6f: {  	_ =	shalt  }
0x70: {  	_ =	shalt  }
0x71: {  	_ =	shalt  }
0x72: {  	_ =	shalt  }
0x73: {  	_ =	shalt  }
0x74: {  	_ =	shalt  }
0x75: {  	_ =	shalt  }
0x76: {  	_ =	shalt  }
0x77: {  	_ =	shalt  }
0x78: {  	_ =	shalt  }
0x79: {  	_ =	shalt  }
0x7a: {  	_ =	shalt  }
0x7b: {  	_ =	shalt  }
0x7c: {  	_ =	shalt  }
0x7d: {  	_ =	shalt  }
0x7e: {  	_ =	shalt  }
0x7f: {  	_ =	shalt  }
0x80: {  	_ =	shalt  }
0x81: {  	_ =	shalt  }
0x82: {  	_ =	shalt  }
0x83: {  	_ =	shalt  }
0x84: {  	_ =	shalt  }
0x85: {  	_ =	shalt  }
0x86: {  	_ =	shalt  }
0x87: {  	_ =	shalt  }
.Lfunc_end0:
.L_simem_size_0:
called_computation_lowered:
.L_overlay_start_0:
0x88: {  	s0 =	sld [smem:$0x3FD9]  }
0x89: {  	s1 =	sld [smem:$0x3FFE];
	_ =	sdelay $0x3  }
0x8a: {  	s0 =	sadd.s32 s1, s0  }
0x8b: {  	[smem:$0x3FC3] =	sst s0  }
0x8c: {  	_ = 	snop  }
0x8d: {  	(tm) =	ssettm $0x1  }
0x8e: {  	s15 =	sld [smem:$0x3FFB];
	_ =	sdelay $0x3  }
0x8f: {  	_ =	strace s15  }
0x90: {  	s0 =	sld [smem:$0x3FFC];
	_ =	sdelay $0x3  }
0x91: {  	_ =	strace s0  }
0x92: {  	s0 =	sld [smem:$0x3FFD];
	_ =	sdelay $0x3  }
0x93: {  	_ =	strace s0  }
0x94: {  	_ =	strace $0x8FFFFFFF  }
0x95: {  	s16 =	sld [smem:$0x3FDB];
	_ =	sdelay $0x1  }
0x96: {  	s17 =	simm.s32 $_scs_section_size  }
0x97: {  	s2 =	simm.s32 $_size__tile_overlayer_lowered;
	s3 =	simm.s32 $_tile_overlayer_lowered  }
0x98: {  	s20 =	simm.s32 $0x1BFF;
	s19 =	sshll.u32 s3, $0x1;
	s0 =	sadd.s32 s17, s16  }
0x99: {  	s4 =	simm.s32 $0x0;
	s18 =	sshll.u32 s2, $0x1;
	s2 =	sadd.s32 s19, s0  }
0x9a: {  	[timem:s4], [sflag:s20] =	dma.local [hbm:s2], s18  }
0x9b: {  	_ =	swait.ge [sflag:s20], s18  }
0x9c: {  	s1 =	ssub.s32 $0x0, s18;
	[sflag:s20] =	ssyncset.done $0x0  }
0x9d: {  	[sflag:s20] =	ssyncadd.s32 s1;
	_ =	sdelay $0x1  }
0x9e: {  	s21 =	simm.s32 $0x1B8B  }
0x9f: {  	_ =	swait.ge [sflag:s21], $0x1  }
0xa0: {  	[sflag:s21] =	ssyncset.done $0x0  }
0xa1: {  	s23 =	simm.s32 $0x1B8E;
	s22 =	sld [smem:$0x3FFE];
	[sflag:s21] =	ssyncadd.s32 $0xFFFFFFFF  }
0xa2: {  	s24 =	simm.s32 $execute0_lowered;
	[smem:$0x3FD2] =	sst s23  }
0xa3: {  	s2 =	sshll.u32 s24, $0x1;
	_ =	strace $0x80000046;
	[dreg:$0x1] =	wrdreg $0xFFFFFFFF  }
0xa4: {  	s25 =	simm.s32 $_size_execute0_lowered;
	s0 =	sadd.s32 s0, s2;
	[dreg:$0x0] =	wrdreg $0x0  }
0xa5: {  	s2 =	sshll.u32 s25, $0x1;
	[dreg:$0x2] =	wrdreg s0  }
0xa6: {  	[dreg:$0x3] =	wrdreg s2  }
0xa7: {  	[dreg:$0x4] =	wrdreg $0xC0  }
0xa8: {  	_ =	task [dreg:s4], $0x5FFFF  }
0xa9: {  	[dreg:$0x1] =	wrdreg $0xFFFFFFFF  }
0xaa: {  	[dreg:$0x0] =	wrdreg $0x60  }
0xab: {  	[dreg:$0x2] =	wrdreg s22  }
0xac: {  	[dreg:$0x3] =	wrdreg $0x9  }
0xad: {  	_ =	task.clear_ibuf [dreg:s4], $0x4FFFF;
	_ =	strace $0x90000046  }
0xae: {  	s26 =	simm.s32 $0x9;
	_ =	strace $0x80000048  }
0xaf: {  	_ =	swait.ge [sflag:s26], $0x1  }
0xb0: {  	[sflag:s26] =	ssyncadd.s32 $0xFFFFFFFF  }
0xb1: {  	_ =	strace $0x90000048  }
0xb2: {  	_ =	sfence  }
0xb3: {  	s28 =	sld [smem:$0x0];
	_ =	sdelay $0x1  }
0xb4: {  	s29 =	srdreg.scid  }
0xb5: {  	s30 =	sshll.u32 s29, $0xD;
	s31 =	sshrl.u32 s29, $0x2  }
0xb6: {  	s1 =	sand.u32 $0x1, s29;
	s2 =	sand.u32 $0x4000, s30;
	s0 =	sadd.s32 s31, s28  }
0xb7: {  	s1 =	sor.u32 s2, s1;
	s0 =	sshll.u32 s0, $0x11  }
0xb8: {  	s0 =	sor.u32 s0, s1  }
0xb9: {  	s0 =	sadd.s32 $0x8F2B, s0  }
0xba: {  	[sflag:s0] =	ssyncadd.remote.s32 $0x1  }
0xbb: {  	_ =	sfence.sel $0xFFFF  }
0xbc: {  	[dreg:$0x0] =	wrdreg $0xFFFFFFFF;
	(pc) =	sbr.abs _section_cstart, $3  }
0xbd: {  	[dreg:$0x1] =	wrdreg $0xFFFFFFFF  }
0xbe: {  	_ =	task.clear_ibuf [dreg:s4], $0x2FFFF;
	_ =	strace $0x9FFFFFFF  }
0xbf: {  	(tm) =	ssettm $0x7FFFFFFF  }
tec
execute0_lowered:
.L_overlay_start_1:
0x0: {  	(tag) =	ssettag $0x1  }
0x1: {  	s0 =	stileid.u32  }
0x2: {  	s1 =	smin.u32 s0, $0xE  }
0x3: {  	s1 =	sadd.s32 s0, s1  }
0x4: {  	s2 =	simm.s32 $0x190;
	p0 =	slt.u32 s0, $0xE;
	s1 =	smul.u32 $0xC8, s1  }
0x5: {  	s2 =	simm.s32 @!p0 $0xC8  }
0x6: {  	s2 =	sadd.s32 s2, s1  }
0x7: {  	s3 =	smin.u32 s2, $0x1770  }
0x8: {  	s7 =	ssub.s32 s3, s1  }
0x9: {  	p0 =	sgt.s32 s7, $0x0  }
0xa: {  	s7 =	simm.s32 @!p0 $0x0  }
0xb: {  	s31 =	sand.u32 $0xFFF8, s7  }
0xc: {  	s2 =	sshrl.u32 s31, $0x3  }
0xd: {  	s2 =	smul.u32 $0x147B, s2  }
0xe: {  	s9 =	rddreg [dreg:$0x0];
	s6 =	simm.s32 $0x1;
	s11 =	simm.s32 $0x3  }
0xf: {  	s13 =	simm.s32 $0x0;
	s12 =	simm.s32 $0x0;
	s8 =	sshrl.u32 s2, $0x11  }
0x10: {  	s4 =	sadd.s32 $0xC00, s9;
	s5 =	sadd.s32 $0x800, s9;
	s10 =	smul.u32 $0xC8, s8  }
.Ltmp0:
0x11: {  	s9 =	sadd.s32 $0x56400, s9;
	s2 =	rddreg [dreg:$0x1];
	(pc) =	sbr.rel .LBB2_1-.Ltmp0, $4  }
0x12: {  	_ =	strace $0x80000047;
	p0 =	sne.s32 s7, s10;
	s10 =	simm.s32 $0x1  }
0x13: {  	[sflag:s6] =	ssyncpa.u1 $0x0;
	s7 =	simm.s32 $0x2;
	s10 =	simm.s32 @!p0 $0x0  }
0x14: {  	[sflag:s7] =	ssyncpa.u1 $0x0;
	p0 =	por $0x0, $0x0;
	s8 =	sadd.s32 s8, s10  }
0x15: {  	vm0 =	vmmov $0xff;
	vm1 =	vcmask $0x3F20;
	[sflag:s11] =	ssyncpa.u1 $0x0;
	s11 =	smov.u32 s1;
	s10 =	sadd.s32 $0x1, s8  }
.LBB2_6:
0x16: {  	[hbm:s17] =	stream.linear.scatter [tilespmem:s14], [sflag:$0x3], $0x400, $0x38;
	[tilespmem:$0xC990] =	vst v63  }
.LBB2_7:
0x17: {  	s13 =	sadd.s32 $0xC8, s11  }
0x18: {  	s15 =	smov.u32 s1;
	p2 =	slt.s32 s13, s3  }
0x19: {  	s15 =	smov.u32 @p2 s13;
	p2 =	sne.s32 s12, s10  }
.Ltmp1:
0x1a: {  	p1 =	slt.u32 s12, $0x2;
	(pc) =	sbr.rel @!p2 .LBB2_8-.Ltmp1, $4  }
0x1b: {  	s14 =	simm.s32 @!p1 $0x3  }
0x1c: {  	s16 =	sadd.s32 $0x1, s12;
	_ =	swait.ge @!p1 [sflag:s14], $0x6400  }
0x1d: {  	p0 =	por !p0, !p0;
	s13 =	smov.u32 s11;
	[sflag:s14] =	ssyncset.done @!p1 $0x0  }
0x1e: {  	s12 =	smov.u32 s16;
	s11 =	smov.u32 s15;
	[sflag:s14] =	ssyncadd.s32 @!p1 $0xFFFF9C00  }
.LBB2_1:
0x1f: {  	p1 =	sge.u32 s12, s8  }
0x20: {  	s14 =	sxor.u32 @!p1 $0xFFFFFFFF, s12  }
0x21: {  	s14 =	sand.u32 @!p1 $0x1, s14  }
0x22: {  	s14 =	smul.u32 @!p1 $0x320, s14  }
0x23: {  	s31 =	sadd.s32 $0xFFFFFFFF, s12;
	s15 =	sshrl.u32 @!p1 s11, $0x3  }
0x24: {  	s16 =	sand.u32 @!p1 $0x7, s11;
	s15 =	sadd.s32 @!p1 s5, s15;
	s14 =	sshrl.u32 @!p1 s14, $0x2  }
0x25: {  	[tilespmem:s14], [sflag:$0x2] =	stream.linear.gather @!p1 [hbm4b:s15+s16], $0xC8, $0x38;
	[tilespmem:$0xC990] =	vst v63  }
0x26: {  	p1 =	sge.u32 s31, s8  }
.Ltmp2:
0x27: {  	_ = 	snop;
	(pc) =	sbr.rel @p1 .LBB2_7-.Ltmp2, $1  }
0x28: {  	_ =	sdelay $0x3  }
0x29: {  	s14 =	simm.s32 $0x1  }
0x2a: {  	s14 =	simm.s32 @!p0 $0x0  }
0x2b: {  	s15 =	smul.u32 $0x320, s14  }
0x2c: {  	_ =	swait.ge [sflag:s7], $0xC8  }
0x2d: {  	[sflag:s7] =	ssyncset.done $0x0;
	s16 =	sshrl.u32 s15, $0x2  }
0x2e: {  	[sflag:s7] =	ssyncadd.s32 $0xFFFFFF38;
	s15 =	sadd.s32 $0x0, s16  }
0x2f: {  	v0 =	vld.msk [tilespmem:s15+$0x0 ss:$0x1], $0xffff;
	_ =	sdelay $0x4  }
0x30: {  	vm2 =	vgt.s32 v0, $0x0  }
0x31: {  	v0 =	vnsel vm2, $0x0, v0  }
0x32: {  	v0 =	vmin.u32 v0, $0x50FF  }
0x33: {  	v0 =	vshll.u32 v0, $0x4  }
0x34: {  	s14 =	smul.u32 $0x19000, s14  }
0x35: {  	s31 =	sand.u32 $0x1, s12  }
0x36: {  	s17 =	smul.u32 $0x320, s31;
	s14 =	sshrl.u32 s14, $0x2  }
0x37: {  	s19 =	smul.u32 $0x19000, s31;
	s14 =	sor.u32 $0x190, s14  }
0x38: {  	[tilespmem:s14], [sflag:$0x1] =	stream.indirect_vreg.gather [hbm:s4], $0x80, v0, vm0, $0x38;
	[tilespmem:$0xC990] =	vst v63  }
0x39: {  	s18 =	sshrl.u32 s17, $0x2;
	s20 =	sadd.s32 $0x10, s16;
	s15 =	sadd.s32 $0x400, s14  }
0x3a: {  	[tilespmem:s15], [sflag:$0x1] =	stream.indirect_vreg.gather [hbm:s4], $0x80, v0, vm1, $0x38;
	[tilespmem:$0xC990] =	vst v63  }
0x3b: {  	s17 =	sshrl.u32 s19, $0x2;
	s19 =	smov.u32 s14;
	v0 =	vld.msk [tilespmem:s20+$0x0 ss:$0x1], $0xffff;
	s20 =	simm.s32 $0x80  }
.LBB2_3:
0x3c: {  	p1 =	sne.s32 s20, $0x2C0;
	_ =	sdelay $0x4  }
0x3d: {  	vm2 =	vgt.s32 v0, $0x0  }
0x3e: {  	v0 =	vnsel vm2, $0x0, v0  }
0x3f: {  	v0 =	vmin.u32 v0, $0x50FF  }
0x40: {  	v0 =	vshll.u32 v0, $0x4;
	_ =	sdelay $0x3  }
.Ltmp3:
0x41: {  	s21 =	sshra.s32 s20, $0x2;
	s19 =	sadd.s32 $0x800, s19;
	(pc) =	sbr.rel @p1 .LBB2_3-.Ltmp3, $4  }
0x42: {  	[tilespmem:s19], [sflag:$0x1] =	stream.indirect_vreg.gather [hbm:s4], $0x80, v0, vm0, $0x38;
	[tilespmem:$0xC990] =	vst v63  }
0x43: {  	s21 =	sadd.s32 s21, s16;
	s22 =	sadd.s32 $0x400, s19  }
0x44: {  	[tilespmem:s22], [sflag:$0x1] =	stream.indirect_vreg.gather [hbm:s4], $0x80, v0, vm1, $0x38;
	[tilespmem:$0xC990] =	vst v63  }
0x45: {  	s20 =	sadd.s32 $0x40, s20;
	v0 =	vld.msk [tilespmem:s21+$0x0 ss:$0x1], $0xffff  }
0x46: {  	_ =	sdelay $0x3  }
0x47: {  	vm2 =	vgt.s32 v0, $0x0  }
0x48: {  	v0 =	vnsel vm2, $0x0, v0  }
0x49: {  	v0 =	vmin.u32 v0, $0x50FF  }
0x4a: {  	v0 =	vshll.u32 v0, $0x4;
	_ =	sdelay $0x3  }
0x4b: {  	s16 =	sadd.s32 $0x800, s19  }
0x4c: {  	[tilespmem:s16], [sflag:$0x1] =	stream.indirect_vreg.gather [hbm:s4], $0x80, v0, vm0, $0x38;
	[tilespmem:$0xC990] =	vst v63  }
0x4d: {  	s16 =	sadd.s32 $0x400, s16  }
0x4e: {  	[tilespmem:s16], [sflag:$0x1] =	stream.indirect_vreg.gather [hbm:s4], $0x80, v0, vm1, $0x38;
	[tilespmem:$0xC990] =	vst v63  }
0x4f: {  	v0 =	vld.msk [tilespmem:s18+$0xC0 ss:$0x1], $0xff;
	_ =	sdelay $0x4  }
0x50: {  	vm2 =	vgt.s32 v0, $0x0  }
0x51: {  	v0 =	vnsel vm2, $0x0, v0  }
0x52: {  	v0 =	vmin.u32 v0, $0x50FF  }
0x53: {  	v0 =	vshll.u32 v0, $0x4;
	_ =	sdelay $0x3  }
0x54: {  	s31 =	sadd.s32 $0x6190, s17  }
0x55: {  	[tilespmem:s31], [sflag:$0x1] =	stream.indirect_vreg.gather [hbm:s4], $0x80, v0, vm0, $0x38;
	[tilespmem:$0xC990] =	vst v63  }
0x56: {  	s13 =	sshll.u32 s13, $0x4;
	_ =	swait.ge [sflag:s6], $0x6400  }
0x57: {  	s13 =	sadd.s32 s13, s9;
	[sflag:s6] =	ssyncset.done $0x0  }
0x58: {  	s17 =	sadd.s32 $0x0, s13;
	s16 =	simm.s32 $0x80;
	[sflag:s6] =	ssyncadd.s32 $0xFFFF9C00  }
.LBB2_5:
0x59: {  	[hbm:s17] =	stream.linear.scatter [tilespmem:s14], [sflag:$0x3], $0x400, $0x38;
	[tilespmem:$0xC990] =	vst v63  }
0x5a: {  	s17 =	smov.u32 s16;
	s14 =	smov.u32 s15;
	p1 =	sne.s32 s16, $0xC00  }
.Ltmp4:
0x5b: {  	s16 =	sadd.s32 $0x80, s16;
	(pc) =	sbr.rel @p1 .LBB2_5-.Ltmp4, $2  }
0x5c: {  	_ =	sdelay $0x2  }
0x5d: {  	s15 =	sadd.s32 $0x400, s15;
	s17 =	sadd.s32 s17, s13  }
.Ltmp5:
0x5e: {  	_ = 	snop;
	(pc) =	sbr.rel .LBB2_6-.Ltmp5, $1  }
0x5f: {  	_ =	sdelay $0x3  }
.LBB2_8:
0x60: {  	_ =	sfence.sel $0x180000  }
0x61: {  	s1 =	simm.s32 $0x2;
	[bflag:$0x0] =	sbarrier.arrive $0xFFFF  }
0x62: {  	s30 =	simm.s32 $0x3;
	[sflag:s1] =	ssyncpa.u1 $0x1  }
0x63: {  	s31 =	simm.s32 $0x1;
	[sflag:s30] =	ssyncpa.u1 $0x1  }
0x64: {  	[sflag:s31] =	ssyncpa.u1 $0x1  }
0x65: {  	p0 =	sne.s32 s0, $0x0;
	_ =	strace $0x90000047  }
0x66: {  	s0 =	sadd.s32 @!p0 $0x100000, s2;
	[bflag:$0x2] =	sbarrier.arrive $0xFFFF  }
0x67: {  	[sflag:s0] =	ssyncadd.tile.s32 @!p0 $0x1;
	_ =	shalt  }
.Lfunc_end2:
_tile_overlayer_lowered:
.L_overlay_start_2:
0x68: {  	(tag) =	ssettag $0x2  }
0x69: {  	s0 =	rddreg [dreg:$0x0];
	s2 =	stileid.u32  }
0x6a: {  	s1 =	rddreg [dreg:$0x1];
	p0 =	sne.s32 s2, $0x0  }
0x6b: {  	s3 =	rddreg [dreg:$0x2];
	[bflag:$0x3] =	sbarrier.arrive $0xFFFF;
	s2 =	simm.s32 @!p0 $0x1C01  }
0x6c: {  	[timem:s3], [sflag:s2] =	dma.local @!p0 [hbm:s0], s1  }
0x6d: {  	s0 =	simm.s32 @!p0 $0x1  }
0x6e: {  	_ =	swait.ge @!p0 [sflag:s0], s1  }
0x6f: {  	s1 =	ssub.s32 @!p0 $0x0, s1;
	[sflag:s0] =	ssyncset.done @!p0 $0x0  }
0x70: {  	[sflag:s0] =	ssyncadd.s32 @!p0 s1  }
0x71: {  	[bflag:$0x3] =	sbarrier.arrive $0xFFFF  }
0x72: {  	_ =	shalt  }

// kernel: kernel.4.cloned.1.call-start
scs
__scs_entry_jumppad:
0x0: {  	(pc) =	sbr.rel $0x88, $3  }
0x1: {  	(tag) =	ssettag $0x0;
	lr =	simm.s32 $0x1  }
0x2: {  	[smem:$0x3F9C] =	sst lr;
	_ =	strace $0xD0000000  }
0x3: {  	_ = 	snop  }
0x4: {  	_ = 	snop  }
0x5: {  	_ = 	snop  }
0x6: {  	_ = 	snop  }
0x7: {  	_ = 	snop  }
__scs_overlays_trampoline_lowered:
0x8: {  	[smem:$0x3FAB] =	sst s0  }
0x9: {  	[smem:$0x3FAC] =	sst s1  }
0xa: {  	[smem:$0x3FAD] =	sst s2  }
0xb: {  	[smem:$0x3FAE] =	sst s3  }
0xc: {  	[smem:$0x3FAF] =	sst s4  }
0xd: {  	[smem:$0x3FB0] =	sst s5  }
0xe: {  	[smem:$0x3FB1] =	sst s6  }
0xf: {  	[smem:$0x3FB2] =	sst s7  }
0x10: {  	[smem:$0x3FB3] =	sst s8  }
0x11: {  	[smem:$0x3FB4] =	sst s9;
	s0 =	simm.s32 @!p0 $0x0  }
0x12: {  	s1 =	sld [smem:$0x3F9A];
	s0 =	simm.s32 @p0 $0x1  }
0x13: {  	[smem:$0x3FB5] =	sst s0;
	s0 =	simm.s32 @!p1 $0x0  }
0x14: {  	s2 =	sld [smem:$0x3F99];
	s0 =	simm.s32 @p1 $0x1  }
0x15: {  	[smem:$0x3FB6] =	sst s0;
	s0 =	simm.s32 @!p2 $0x0  }
0x16: {  	s3 =	sld [smem:$0x3FDB];
	s0 =	simm.s32 @p2 $0x1  }
0x17: {  	s4 =	simm.s32 $0x1BF5;
	[smem:$0x3FB8] =	sst s0  }
0x18: {  	s0 =	sld [smem:$0x3F9B];
	_ =	swait.ge [sflag:s4], $0x0  }
0x19: {  	s7 =	sld [smem:$0x3F9C]  }
0x1a: {  	s8 =	sadd.s32 $0xFFFFE003, lr  }
0x1b: {  	s9 =	sadd.s32 $0xFFFFFEF7, lr;
	s5 =	simm.s32 $0xFFFFFFFF;
	p2 =	slt.u32 s8, $0xFFFFF086  }
0x1c: {  	p1 =	slt.u32 s9, $0xF7A;
	s5 =	simm.s32 @!p2 $0x0  }
0x1d: {  	s5 =	simm.s32 @p1 $0x1;
	p0 =	seq.s32 s7, s2  }
0x1e: {  	s7 =	smul.u32 @!p0 $0xF7A, s2;
	p2 =	seq.s32 @!p0 s5, $0x0  }
0x1f: {  	s9 =	smul.u32 $0xF7A, s1;
	s8 =	simm.s32 @!p0 $0x1BF5;
	p2 =	por !p2, p0  }
0x20: {  	[sflag:s8] =	ssyncset.s32 @!p0 $0xFFFFF086;
	s6 =	sadd.s32 @!p0 s3, s7;
	s7 =	simm.s32 @!p0 $0x108  }
0x21: {  	s3 =	sadd.s32 s3, s9;
	s6 =	sadd.s32 @!p0 $0x88, s6;
	s7 =	simm.s32 @p2 $0x1082  }
0x22: {  	[simem:s7], [sflag:s8] =	dma.local @!p0 [hbm:s6], $0xF7A  }
0x23: {  	s9 =	sor.u32 $0xD0000000, s2;
	s6 =	simm.s32 $0x108;
	_ =	swait.ge @!p0 [sflag:s8], $0x0  }
0x24: {  	s3 =	sadd.s32 $0x88, s3;
	s6 =	simm.s32 @!p1 $0x1082;
	[sflag:s4] =	ssyncset.s32 $0xFFFFF086  }
0x25: {  	[simem:s6], [sflag:s4] =	dma.local [hbm:s3], $0xF7A  }
0x26: {  	[smem:$0x3F9C] =	sst s1;
	(tag) =	ssettag s2;
	_ =	strace s9  }
0x27: {  	s1 =	sld [smem:$0x3FAC]  }
0x28: {  	s2 =	sld [smem:$0x3FAD]  }
0x29: {  	s4 =	sld [smem:$0x3FAF]  }
0x2a: {  	p0 =	seq.s32 s5, $0x0;
	s5 =	sld [smem:$0x3FB0]  }
0x2b: {  	s6 =	sld [smem:$0x3FB1]  }
0x2c: {  	s7 =	sld [smem:$0x3FB2]  }
0x2d: {  	s3 =	simm.s32 $0x108;
	s8 =	sld [smem:$0x3FB3]  }
0x2e: {  	s3 =	simm.s32 @!p0 $0x1082;
	s9 =	sld [smem:$0x3FB4]  }
0x2f: {  	lr =	sadd.s32 s0, s3;
	s0 =	sld [smem:$0x3FAB]  }
0x30: {  	s3 =	sld [smem:$0x3FAE]  }
0x31: {  	[smem:$0x3FB7] =	sst s10  }
0x32: {  	s10 =	sld [smem:$0x3FB5];
	_ =	sdelay $0x3  }
0x33: {  	p0 =	seq.s32 s10, $0x1;
	s10 =	sld [smem:$0x3FB7];
	_ =	sdelay $0x3  }
0x34: {  	[smem:$0x3FB7] =	sst s10  }
0x35: {  	s10 =	sld [smem:$0x3FB6];
	_ =	sdelay $0x3  }
0x36: {  	p1 =	seq.s32 s10, $0x1;
	s10 =	sld [smem:$0x3FB7];
	_ =	sdelay $0x3  }
0x37: {  	[smem:$0x3FB7] =	sst s10  }
0x38: {  	s10 =	sld [smem:$0x3FB8]  }
0x39: {  	_ = 	snop;
	(pc) =	sbr.ind lr, $3  }
0x3a: {  	_ = 	snop  }
0x3b: {  	_ = 	snop  }
0x3c: {  	p2 =	seq.s32 s10, $0x1;
	s10 =	sld [smem:$0x3FB7]  }
0x3d: {  	_ =	shalt  }
0x3e: {  	_ =	shalt  }
0x3f: {  	_ =	shalt  }
0x40: {  	_ =	shalt  }
0x41: {  	_ =	shalt  }
0x42: {  	_ =	shalt  }
0x43: {  	_ =	shalt  }
0x44: {  	_ =	shalt  }
0x45: {  	_ =	shalt  }
0x46: {  	_ =	shalt  }
0x47: {  	_ =	shalt  }
0x48: {  	_ =	shalt  }
0x49: {  	_ =	shalt  }
0x4a: {  	_ =	shalt  }
0x4b: {  	_ =	shalt  }
0x4c: {  	_ =	shalt  }
0x4d: {  	_ =	shalt  }
0x4e: {  	_ =	shalt  }
0x4f: {  	_ =	shalt  }
0x50: {  	_ =	shalt  }
0x51: {  	_ =	shalt  }
0x52: {  	_ =	shalt  }
0x53: {  	_ =	shalt  }
0x54: {  	_ =	shalt  }
0x55: {  	_ =	shalt  }
0x56: {  	_ =	shalt  }
0x57: {  	_ =	shalt  }
0x58: {  	_ =	shalt  }
0x59: {  	_ =	shalt  }
0x5a: {  	_ =	shalt  }
0x5b: {  	_ =	shalt  }
0x5c: {  	_ =	shalt  }
0x5d: {  	_ =	shalt  }
0x5e: {  	_ =	shalt  }
0x5f: {  	_ =	shalt  }
0x60: {  	_ =	shalt  }
0x61: {  	_ =	shalt  }
0x62: {  	_ =	shalt  }
0x63: {  	_ =	shalt  }
0x64: {  	_ =	shalt  }
0x65: {  	_ =	shalt  }
0x66: {  	_ =	shalt  }
0x67: {  	_ =	shalt  }
0x68: {  	_ =	shalt  }
0x69: {  	_ =	shalt  }
0x6a: {  	_ =	shalt  }
0x6b: {  	_ =	shalt  }
0x6c: {  	_ =	shalt  }
0x6d: {  	_ =	shalt  }
0x6e: {  	_ =	shalt  }
0x6f: {  	_ =	shalt  }
0x70: {  	_ =	shalt  }
0x71: {  	_ =	shalt  }
0x72: {  	_ =	shalt  }
0x73: {  	_ =	shalt  }
0x74: {  	_ =	shalt  }
0x75: {  	_ =	shalt  }
0x76: {  	_ =	shalt  }
0x77: {  	_ =	shalt  }
0x78: {  	_ =	shalt  }
0x79: {  	_ =	shalt  }
0x7a: {  	_ =	shalt  }
0x7b: {  	_ =	shalt  }
0x7c: {  	_ =	shalt  }
0x7d: {  	_ =	shalt  }
0x7e: {  	_ =	shalt  }
0x7f: {  	_ =	shalt  }
0x80: {  	_ =	shalt  }
0x81: {  	_ =	shalt  }
0x82: {  	_ =	shalt  }
0x83: {  	_ =	shalt  }
0x84: {  	_ =	shalt  }
0x85: {  	_ =	shalt  }
0x86: {  	_ =	shalt  }
0x87: {  	_ =	shalt  }
.Lfunc_end0:
.L_simem_size_0:
called_computation.2_lowered:
.L_overlay_start_0:
0x88: {  	s2 =	sld [smem:$0x3FD9]  }
0x89: {  	s3 =	sld [smem:$0x3FFE];
	_ =	sdelay $0x1  }
0x8a: {  	s1 =	srdreg.scid  }
0x8b: {  	s0 =	sand.u32 $0x1, s1  }
0x8c: {  	s14 =	sshll.u32 s0, $0xA;
	s2 =	sadd.s32 s3, s2  }
0x8d: {  	s2 =	sadd.s32 s2, s14  }
0x8e: {  	[smem:$0x3FC3] =	sst s2  }
0x8f: {  	_ = 	snop  }
0x90: {  	s2 =	sld [smem:$0x3FD0];
	_ =	sdelay $0x2  }
0x91: {  	s15 =	simm.s32 $0xB;
	s4 =	simm.s32 $0x10  }
0x92: {  	[smem:s4], [sflag:s15] =	dma.local [hbm:s2], $0x1  }
0x93: {  	_ =	swait.eq [sflag:s15], $0x1  }
0x94: {  	s16 =	sld [smem:$0x10];
	[sflag:s15] =	ssyncset.done $0x0  }
0x95: {  	s17 =	sld [smem:$0x11];
	[sflag:s15] =	ssyncadd.s32 $0xFFFFFFFF  }
0x96: {  	s18 =	sld [smem:$0x12];
	(tm) =	ssettm $0x1  }
0x97: {  	s5 =	sld [smem:$0x3FFB];
	_ =	sdelay $0x3  }
0x98: {  	_ =	strace s5  }
0x99: {  	s5 =	sld [smem:$0x3FFC];
	_ =	sdelay $0x3  }
0x9a: {  	_ =	strace s5  }
0x9b: {  	s5 =	sld [smem:$0x3FFD];
	_ =	sdelay $0x3  }
0x9c: {  	_ =	strace s5  }
0x9d: {  	_ =	strace $0x8FFFFFFF  }
0x9e: {  	s19 =	sld [smem:$0x3FDB];
	_ =	sdelay $0x1  }
0x9f: {  	s6 =	simm.s32 $_scs_section_size  }
0xa0: {  	s7 =	simm.s32 $_size__tile_overlayer_lowered;
	s8 =	simm.s32 $_tile_overlayer_lowered  }
0xa1: {  	s22 =	simm.s32 $0x1BFF;
	s21 =	sshll.u32 s8, $0x1;
	s5 =	sadd.s32 s6, s19  }
0xa2: {  	s9 =	simm.s32 $0x0;
	s20 =	sshll.u32 s7, $0x1;
	s7 =	sadd.s32 s21, s5  }
0xa3: {  	[timem:s9], [sflag:s22] =	dma.local [hbm:s7], s20  }
0xa4: {  	_ =	swait.ge [sflag:s22], s20  }
0xa5: {  	s6 =	ssub.s32 $0x0, s20;
	[sflag:s22] =	ssyncset.done $0x0  }
0xa6: {  	[sflag:s22] =	ssyncadd.s32 s6;
	_ =	sdelay $0x1  }
0xa7: {  	s23 =	simm.s32 $0x1B8B  }
0xa8: {  	_ =	swait.ge [sflag:s23], $0x1  }
0xa9: {  	[sflag:s23] =	ssyncset.done $0x0  }
0xaa: {  	s25 =	simm.s32 $0x1B8E;
	s24 =	sld [smem:$0x3FFE];
	[sflag:s23] =	ssyncadd.s32 $0xFFFFFFFF  }
0xab: {  	s26 =	simm.s32 $execute0_lowered;
	[smem:$0x3FD2] =	sst s25  }
0xac: {  	s7 =	sshll.u32 s26, $0x1;
	_ =	strace $0x8000004C;
	[dreg:$0x1] =	wrdreg $0xFFFFFFFF  }
0xad: {  	s28 =	simm.s32 $_size_execute0_lowered;
	s5 =	sadd.s32 s5, s7;
	[dreg:$0x0] =	wrdreg $0x0  }
0xae: {  	s7 =	sshll.u32 s28, $0x1;
	[dreg:$0x2] =	wrdreg s5  }
0xaf: {  	[dreg:$0x3] =	wrdreg s7  }
0xb0: {  	[dreg:$0x4] =	wrdreg $0xC0  }
0xb1: {  	_ =	task [dreg:s9], $0x5FFFF  }
0xb2: {  	[dreg:$0x1] =	wrdreg $0xFFFFFFFF  }
0xb3: {  	[dreg:$0x0] =	wrdreg $0x60  }
0xb4: {  	[dreg:$0x2] =	wrdreg s24  }
0xb5: {  	[dreg:$0x3] =	wrdreg s17  }
0xb6: {  	[dreg:$0x4] =	wrdreg s18  }
0xb7: {  	[dreg:$0x5] =	wrdreg s16  }
0xb8: {  	[dreg:$0x6] =	wrdreg $0x30000  }
0xb9: {  	[dreg:$0x7] =	wrdreg $0x9  }
0xba: {  	_ =	task.clear_ibuf [dreg:s9], $0x8FFFF;
	_ =	strace $0x9000004C  }
0xbb: {  	s29 =	simm.s32 $0x9;
	_ =	strace $0x8000004E  }
0xbc: {  	_ =	swait.ge [sflag:s29], $0x1  }
0xbd: {  	[sflag:s29] =	ssyncadd.s32 $0xFFFFFFFF  }
0xbe: {  	_ =	strace $0x9000004E  }
0xbf: {  	_ =	sfence  }
0xc0: {  	s30 =	sld [smem:$0x0];
	_ =	sdelay $0x2  }
0xc1: {  	s31 =	sshll.u32 s1, $0xD;
	s1 =	sshrl.u32 s1, $0x2  }
0xc2: {  	s3 =	sand.u32 $0x4000, s31;
	s1 =	sadd.s32 s1, s30  }
0xc3: {  	s0 =	sor.u32 s3, s0;
	s1 =	sshll.u32 s1, $0x11  }
0xc4: {  	s0 =	sor.u32 s1, s0  }
0xc5: {  	s0 =	sadd.s32 $0x8F2B, s0  }
0xc6: {  	[sflag:s0] =	ssyncadd.remote.s32 $0x1  }
0xc7: {  	_ =	sfence.sel $0xFFFF  }
0xc8: {  	[dreg:$0x0] =	wrdreg $0xFFFFFFFF;
	(pc) =	sbr.abs _section_cstart, $3  }
0xc9: {  	[dreg:$0x1] =	wrdreg $0xFFFFFFFF  }
0xca: {  	_ =	task.clear_ibuf [dreg:s9], $0x2FFFF;
	_ =	strace $0x9FFFFFFF  }
0xcb: {  	(tm) =	ssettm $0x7FFFFFFF  }
tec
execute0_lowered:
.L_overlay_start_1:
0x0: {  	(tag) =	ssettag $0x1  }
0x1: {  	s0 =	srdreg.scid  }
0x2: {  	s2 =	stileid.u32;
	s1 =	sand.u32 $0x1, s0  }
0x3: {  	s31 =	sshll.u32 s2, $0x1;
	s5 =	ssub.s32 $0x0, s1  }
0x4: {  	p0 =	sne.s32 s31, s5  }
.Ltmp0:
0x5: {  	s21 =	rddreg [dreg:$0x0];
	(pc) =	sbr.rel @p0 .LBB2_7-.Ltmp0, $4  }
0x6: {  	s4 =	rddreg [dreg:$0x1]  }
0x7: {  	s3 =	rddreg [dreg:$0x2]  }
0x8: {  	s18 =	rddreg [dreg:$0x4]  }
0x9: {  	s6 =	rddreg [dreg:$0x5];
	_ =	strace $0x8000004D  }
0xa: {  	s0 =	sadd.s32 $0x1800, s21;
	s19 =	sadd.s32 $0x1C00, s21  }
0xb: {  	s20 =	sadd.s32 $0x400, s21;
	s22 =	sadd.s32 $0x800, s21;
	s23 =	sadd.s32 $0xC00, s21  }
0xc: {  	s24 =	sadd.s32 $0x1000, s21;
	s25 =	sadd.s32 $0x1400, s21;
	s12 =	sadd.s32 $0x55800, s21  }
0xd: {  	s26 =	ssub.s32 $0x2, s1;
	s13 =	sadd.s32 $0x54C00, s21;
	s14 =	sadd.s32 $0x54000, s21  }
0xe: {  	s15 =	sadd.s32 $0x53400, s21;
	s16 =	sadd.s32 $0x52800, s21;
	s17 =	sadd.s32 $0x51C00, s21  }
0xf: {  	s6 =	simm.s32 $0x0;
	s5 =	simm.s32 $0x2;
	s31 =	simm.s32 $0x1800  }
0x10: {  	s7 =	simm.s32 $0x1;
	s10 =	simm.s32 $0x3300;
	[dreg:$0x6] =	wrdreg s0  }
0x11: {  	s8 =	simm.s32 $0x3600;
	[dreg:$0x7] =	wrdreg s19;
	s1 =	sshrl.u32 s26, $0x1  }
0x12: {  	s30 =	simm.s32 $0x3780;
	[dreg:$0x8] =	wrdreg s20;
	s0 =	ssub.s32 s26, s1  }
0x13: {  	s28 =	simm.s32 $0x3900;
	[dreg:$0x9] =	wrdreg s22;
	s0 =	smax.u32 s0, $0x1  }
0x14: {  	s29 =	simm.s32 $0x3A80;
	[dreg:$0xa] =	wrdreg s23;
	p1 =	sne.s32 s0, $0x1  }
.Ltmp1:
0x15: {  	s9 =	simm.s32 $0x3C00;
	[dreg:$0xb] =	wrdreg s24;
	(pc) =	sbr.rel @!p1 .LBB2_6-.Ltmp1, $4  }
0x16: {  	s11 =	simm.s32 $0x3D80;
	p0 =	por $0x0, $0x0;
	[dreg:$0xc] =	wrdreg s25  }
0x17: {  	s19 =	simm.s32 $0x180;
	s20 =	simm.s32 $0x3480;
	s22 =	simm.s32 $0x3F00  }
0x18: {  	s23 =	simm.s32 $0x4080;
	s24 =	simm.s32 $0x4200;
	s25 =	simm.s32 $0x4380  }
0x19: {  	s26 =	simm.s32 $0x3180;
	s1 =	sadd.s32 $0xFFFFFFFF, s0;
	s0 =	rddreg [dreg:$0x6]  }
0x1a: {  	[tilespmem:s6], [sflag:$0x2] =	stream.linear.gather [hbm4b:s0+s6], $0x1800, $0x38;
	[tilespmem:$0x4500] =	vst v63  }
0x1b: {  	_ =	swait.ge [sflag:s5], $0x1800  }
0x1c: {  	[sflag:s5] =	ssyncset.done $0x0  }
0x1d: {  	s2 =	rddreg [dreg:$0x7];
	[sflag:s5] =	ssyncadd.s32 $0xFFFFE800  }
0x1e: {  	[tilespmem:s31], [sflag:$0x2] =	stream.linear.gather [hbm4b:s2+s6], $0x1800, $0x38;
	[tilespmem:$0x4500] =	vst v63  }
0x1f: {  	_ =	swait.ge [sflag:s5], $0x1800  }
0x20: {  	[sflag:s5] =	ssyncset.done $0x0  }
0x21: {  	[sflag:s5] =	ssyncadd.s32 $0xFFFFE800  }
0x22: {  	[spmem:s18] =	stream.indirect.scatter [tilespmem:s31], [sflag:$0x1], $0x1, s6, s31, $0xb8;
	[tilespmem:$0x4500] =	vst v63  }
0x23: {  	_ =	swait.ge [sflag:s7], $0x1800  }
0x24: {  	[sflag:s7] =	ssyncset.done $0x0  }
0x25: {  	[sflag:s7] =	ssyncadd.s32 $0xFFFFE800  }
0x26: {  	[tilespmem:s26], [sflag:$0x2] =	stream.linear.gather [spmem:s18], $0x180, $0x38;
	[tilespmem:$0x4500] =	vst v63  }
0x27: {  	_ =	swait.ge [sflag:s5], $0x180  }
0x28: {  	[sflag:s5] =	ssyncset.done $0x0  }
0x29: {  	s2 =	rddreg [dreg:$0x8];
	[sflag:s5] =	ssyncadd.s32 $0xFFFFFE80  }
0x2a: {  	[tilespmem:s10], [sflag:$0x1] =	stream.indirect.gather [hbm4b:s2+s19], $0x1, s26, s19, $0xb8;
	[tilespmem:$0x4500] =	vst v63  }
0x2b: {  	_ = 	snop  }
0x2c: {  	[tilespmem:s20], [sflag:$0x1] =	stream.indirect.gather [hbm4b:s21+s19], $0x1, s26, s19, $0xb8;
	[tilespmem:$0x4500] =	vst v63  }
0x2d: {  	s0 =	rddreg [dreg:$0x9]  }
0x2e: {  	[tilespmem:s8], [sflag:$0x1] =	stream.indirect.gather [hbm4b:s0+s19], $0x1, s26, s19, $0xb8;
	[tilespmem:$0x4500] =	vst v63  }
0x2f: {  	s21 =	rddreg [dreg:$0xa]  }
0x30: {  	[tilespmem:s30], [sflag:$0x1] =	stream.indirect.gather [hbm4b:s21+s19], $0x1, s26, s19, $0xb8;
	[tilespmem:$0x4500] =	vst v63  }
0x31: {  	s0 =	rddreg [dreg:$0xb]  }
0x32: {  	[tilespmem:s28], [sflag:$0x1] =	stream.indirect.gather [hbm4b:s0+s19], $0x1, s26, s19, $0xb8;
	[tilespmem:$0x4500] =	vst v63  }
0x33: {  	s21 =	rddreg [dreg:$0xc]  }
0x34: {  	[tilespmem:s29], [sflag:$0x1] =	stream.indirect.gather [hbm4b:s21+s19], $0x1, s26, s19, $0xb8;
	[tilespmem:$0x4500] =	vst v63  }
0x35: {  	_ =	swait.ge [sflag:s7], $0x180  }
0x36: {  	[sflag:s7] =	ssyncset.done $0x0  }
0x37: {  	[sflag:s7] =	ssyncadd.s32 $0xFFFFFE80  }
0x38: {  	_ =	swait.ge [sflag:s7], $0x180  }
0x39: {  	[sflag:s7] =	ssyncset.done $0x0  }
0x3a: {  	[sflag:s7] =	ssyncadd.s32 $0xFFFFFE80  }
0x3b: {  	_ =	swait.ge [sflag:s7], $0x180  }
0x3c: {  	[sflag:s7] =	ssyncset.done $0x0  }
0x3d: {  	[sflag:s7] =	ssyncadd.s32 $0xFFFFFE80  }
0x3e: {  	_ =	swait.ge [sflag:s7], $0x180  }
0x3f: {  	[sflag:s7] =	ssyncset.done $0x0  }
0x40: {  	[sflag:s7] =	ssyncadd.s32 $0xFFFFFE80  }
0x41: {  	_ =	swait.ge [sflag:s7], $0x180  }
0x42: {  	[sflag:s7] =	ssyncset.done $0x0  }
0x43: {  	[sflag:s7] =	ssyncadd.s32 $0xFFFFFE80  }
0x44: {  	_ =	swait.ge [sflag:s7], $0x180  }
0x45: {  	[sflag:s7] =	ssyncset.done $0x0  }
0x46: {  	[sflag:s7] =	ssyncadd.s32 $0xFFFFFE80  }
0x47: {  	[tilespmem:s9], [sflag:$0x1] =	stream.indirect.gather [hbm4b:s12+s19], $0x1, s20, s19, $0xb8;
	[tilespmem:$0x4500] =	vst v63  }
0x48: {  	_ = 	snop  }
0x49: {  	[tilespmem:s11], [sflag:$0x1] =	stream.indirect.gather [hbm4b:s13+s19], $0x1, s20, s19, $0xb8;
	[tilespmem:$0x4500] =	vst v63  }
0x4a: {  	_ = 	snop  }
0x4b: {  	[tilespmem:s22], [sflag:$0x1] =	stream.indirect.gather [hbm4b:s14+s19], $0x1, s20, s19, $0xb8;
	[tilespmem:$0x4500] =	vst v63  }
0x4c: {  	_ = 	snop  }
0x4d: {  	[tilespmem:s23], [sflag:$0x1] =	stream.indirect.gather [hbm4b:s15+s19], $0x1, s20, s19, $0xb8;
	[tilespmem:$0x4500] =	vst v63  }
0x4e: {  	_ = 	snop  }
0x4f: {  	[tilespmem:s24], [sflag:$0x1] =	stream.indirect.gather [hbm4b:s16+s19], $0x1, s20, s19, $0xb8;
	[tilespmem:$0x4500] =	vst v63  }
0x50: {  	_ = 	snop  }
0x51: {  	[tilespmem:s25], [sflag:$0x1] =	stream.indirect.gather [hbm4b:s17+s19], $0x1, s20, s19, $0xb8;
	[tilespmem:$0x4500] =	vst v63  }
0x52: {  	_ =	swait.ge [sflag:s7], $0x180  }
0x53: {  	[sflag:s7] =	ssyncset.done $0x0  }
0x54: {  	[sflag:s7] =	ssyncadd.s32 $0xFFFFFE80  }
0x55: {  	_ =	swait.ge [sflag:s7], $0x180  }
0x56: {  	[sflag:s7] =	ssyncset.done $0x0  }
0x57: {  	[sflag:s7] =	ssyncadd.s32 $0xFFFFFE80  }
0x58: {  	_ =	swait.ge [sflag:s7], $0x180  }
0x59: {  	[sflag:s7] =	ssyncset.done $0x0  }
0x5a: {  	[sflag:s7] =	ssyncadd.s32 $0xFFFFFE80  }
0x5b: {  	_ =	swait.ge [sflag:s7], $0x180  }
0x5c: {  	[sflag:s7] =	ssyncset.done $0x0  }
0x5d: {  	[sflag:s7] =	ssyncadd.s32 $0xFFFFFE80  }
0x5e: {  	_ =	swait.ge [sflag:s7], $0x180  }
0x5f: {  	[sflag:s7] =	ssyncset.done $0x0  }
0x60: {  	[sflag:s7] =	ssyncadd.s32 $0xFFFFFE80  }
0x61: {  	_ =	swait.ge [sflag:s7], $0x180  }
0x62: {  	[sflag:s7] =	ssyncset.done $0x0  }
0x63: {  	[sflag:s7] =	ssyncadd.s32 $0xFFFFFE80  }
0x64: {  	[hbm4b:s4+s6] =	stream.linear.scatter [tilespmem:s10], [sflag:$0x2], $0x180, $0x38;
	[tilespmem:$0x4500] =	vst v63  }
0x65: {  	_ =	swait.ge [sflag:s5], $0x180  }
0x66: {  	p0 =	por $0x1, $0x1;
	s2 =	smov.u32 s1;
	[sflag:s5] =	ssyncset.done $0x0  }
0x67: {  	p1 =	sne.s32 s2, $0x1;
	s1 =	sadd.s32 $0xFFFFFFFF, s2;
	[sflag:s5] =	ssyncadd.s32 $0xFFFFFE80  }
0x68: {  	[hbm4b:s3+s6] =	stream.linear.scatter [tilespmem:s8], [sflag:$0x2], $0x600, $0x38;
	[tilespmem:$0x4500] =	vst v63  }
0x69: {  	s30 =	simm.s32 $0x3A80;
	s28 =	simm.s32 $0x4380;
	_ =	swait.ge [sflag:s5], $0x600  }
0x6a: {  	s29 =	simm.s32 $0x3900;
	s21 =	smov.u32 s4;
	[sflag:s5] =	ssyncset.done $0x0  }
.Ltmp2:
0x6b: {  	s11 =	simm.s32 $0x3780;
	[sflag:s5] =	ssyncadd.s32 $0xFFFFFA00;
	(pc) =	sbr.rel @!p1 .LBB2_3-.Ltmp2, $4  }
0x6c: {  	s22 =	simm.s32 $0x3D80;
	s4 =	smov.u32 s3;
	s3 =	rddreg [dreg:$0x3]  }
0x6d: {  	[hbm4b:s3+s6] =	stream.linear.scatter [tilespmem:s9], [sflag:$0x2], $0x900, $0x38;
	[tilespmem:$0x4500] =	vst v63  }
0x6e: {  	s23 =	simm.s32 $0x3F00;
	s24 =	simm.s32 $0x4080;
	_ =	swait.ge [sflag:s5], $0x900  }
0x6f: {  	s25 =	simm.s32 $0x4200;
	s0 =	rddreg [dreg:$0x6];
	[sflag:s5] =	ssyncset.done $0x0  }
.LBB2_4:
0x70: {  	[sflag:s5] =	ssyncadd.s32 $0xFFFFF700  }
0x71: {  	[tilespmem:s6], [sflag:$0x2] =	stream.linear.gather [hbm4b:s0+s6], $0x1800, $0x38;
	[tilespmem:$0x4500] =	vst v63  }
0x72: {  	_ =	swait.ge [sflag:s5], $0x1800  }
0x73: {  	[sflag:s5] =	ssyncset.done $0x0  }
0x74: {  	s2 =	rddreg [dreg:$0x7];
	[sflag:s5] =	ssyncadd.s32 $0xFFFFE800  }
0x75: {  	[tilespmem:s31], [sflag:$0x2] =	stream.linear.gather [hbm4b:s2+s6], $0x1800, $0x38;
	[tilespmem:$0x4500] =	vst v63  }
0x76: {  	_ =	swait.ge [sflag:s5], $0x1800  }
0x77: {  	[sflag:s5] =	ssyncset.done $0x0  }
0x78: {  	[sflag:s5] =	ssyncadd.s32 $0xFFFFE800  }
0x79: {  	[spmem:s18] =	stream.indirect.scatter [tilespmem:s31], [sflag:$0x1], $0x1, s6, s31, $0xb8;
	[tilespmem:$0x4500] =	vst v63  }
0x7a: {  	_ =	swait.ge [sflag:s7], $0x1800  }
0x7b: {  	[sflag:s7] =	ssyncset.done $0x0  }
0x7c: {  	[sflag:s7] =	ssyncadd.s32 $0xFFFFE800  }
0x7d: {  	[tilespmem:s26], [sflag:$0x2] =	stream.linear.gather [spmem:s18], $0x180, $0x38;
	[tilespmem:$0x4500] =	vst v63  }
0x7e: {  	_ =	swait.ge [sflag:s5], $0x180  }
0x7f: {  	[sflag:s5] =	ssyncset.done $0x0  }
0x80: {  	s2 =	rddreg [dreg:$0x8];
	[sflag:s5] =	ssyncadd.s32 $0xFFFFFE80  }
0x81: {  	[tilespmem:s10], [sflag:$0x1] =	stream.indirect.gather [hbm4b:s2+s19], $0x1, s26, s19, $0xb8;
	[tilespmem:$0x4500] =	vst v63  }
0x82: {  	s2 =	rddreg [dreg:$0x0]  }
0x83: {  	[tilespmem:s20], [sflag:$0x1] =	stream.indirect.gather [hbm4b:s2+s19], $0x1, s26, s19, $0xb8;
	[tilespmem:$0x4500] =	vst v63  }
0x84: {  	s0 =	rddreg [dreg:$0x9]  }
0x85: {  	[tilespmem:s8], [sflag:$0x1] =	stream.indirect.gather [hbm4b:s0+s19], $0x1, s26, s19, $0xb8;
	[tilespmem:$0x4500] =	vst v63  }
0x86: {  	s2 =	rddreg [dreg:$0xa]  }
0x87: {  	[tilespmem:s11], [sflag:$0x1] =	stream.indirect.gather [hbm4b:s2+s19], $0x1, s26, s19, $0xb8;
	[tilespmem:$0x4500] =	vst v63  }
0x88: {  	s0 =	rddreg [dreg:$0xb]  }
0x89: {  	[tilespmem:s29], [sflag:$0x1] =	stream.indirect.gather [hbm4b:s0+s19], $0x1, s26, s19, $0xb8;
	[tilespmem:$0x4500] =	vst v63  }
0x8a: {  	s2 =	rddreg [dreg:$0xc]  }
0x8b: {  	[tilespmem:s30], [sflag:$0x1] =	stream.indirect.gather [hbm4b:s2+s19], $0x1, s26, s19, $0xb8;
	[tilespmem:$0x4500] =	vst v63  }
0x8c: {  	_ =	swait.ge [sflag:s7], $0x180  }
0x8d: {  	[sflag:s7] =	ssyncset.done $0x0  }
0x8e: {  	[sflag:s7] =	ssyncadd.s32 $0xFFFFFE80  }
0x8f: {  	_ =	swait.ge [sflag:s7], $0x180  }
0x90: {  	[sflag:s7] =	ssyncset.done $0x0  }
0x91: {  	[sflag:s7] =	ssyncadd.s32 $0xFFFFFE80  }
0x92: {  	_ =	swait.ge [sflag:s7], $0x180  }
0x93: {  	[sflag:s7] =	ssyncset.done $0x0  }
0x94: {  	[sflag:s7] =	ssyncadd.s32 $0xFFFFFE80  }
0x95: {  	_ =	swait.ge [sflag:s7], $0x180  }
0x96: {  	[sflag:s7] =	ssyncset.done $0x0  }
0x97: {  	[sflag:s7] =	ssyncadd.s32 $0xFFFFFE80  }
0x98: {  	_ =	swait.ge [sflag:s7], $0x180  }
0x99: {  	[sflag:s7] =	ssyncset.done $0x0  }
0x9a: {  	[sflag:s7] =	ssyncadd.s32 $0xFFFFFE80  }
0x9b: {  	_ =	swait.ge [sflag:s7], $0x180  }
0x9c: {  	[sflag:s7] =	ssyncset.done $0x0  }
0x9d: {  	[sflag:s7] =	ssyncadd.s32 $0xFFFFFE80  }
0x9e: {  	[tilespmem:s9], [sflag:$0x1] =	stream.indirect.gather [hbm4b:s12+s19], $0x1, s20, s19, $0xb8;
	[tilespmem:$0x4500] =	vst v63  }
0x9f: {  	_ = 	snop  }
0xa0: {  	[tilespmem:s22], [sflag:$0x1] =	stream.indirect.gather [hbm4b:s13+s19], $0x1, s20, s19, $0xb8;
	[tilespmem:$0x4500] =	vst v63  }
0xa1: {  	_ = 	snop  }
0xa2: {  	[tilespmem:s23], [sflag:$0x1] =	stream.indirect.gather [hbm4b:s14+s19], $0x1, s20, s19, $0xb8;
	[tilespmem:$0x4500] =	vst v63  }
0xa3: {  	_ = 	snop  }
0xa4: {  	[tilespmem:s24], [sflag:$0x1] =	stream.indirect.gather [hbm4b:s15+s19], $0x1, s20, s19, $0xb8;
	[tilespmem:$0x4500] =	vst v63  }
0xa5: {  	_ = 	snop  }
0xa6: {  	[tilespmem:s25], [sflag:$0x1] =	stream.indirect.gather [hbm4b:s16+s19], $0x1, s20, s19, $0xb8;
	[tilespmem:$0x4500] =	vst v63  }
0xa7: {  	_ = 	snop  }
0xa8: {  	[tilespmem:s28], [sflag:$0x1] =	stream.indirect.gather [hbm4b:s17+s19], $0x1, s20, s19, $0xb8;
	[tilespmem:$0x4500] =	vst v63  }
0xa9: {  	_ =	swait.ge [sflag:s7], $0x180  }
0xaa: {  	[sflag:s7] =	ssyncset.done $0x0  }
0xab: {  	[sflag:s7] =	ssyncadd.s32 $0xFFFFFE80  }
0xac: {  	_ =	swait.ge [sflag:s7], $0x180  }
0xad: {  	[sflag:s7] =	ssyncset.done $0x0  }
0xae: {  	[sflag:s7] =	ssyncadd.s32 $0xFFFFFE80  }
0xaf: {  	_ =	swait.ge [sflag:s7], $0x180  }
0xb0: {  	[sflag:s7] =	ssyncset.done $0x0  }
0xb1: {  	[sflag:s7] =	ssyncadd.s32 $0xFFFFFE80  }
0xb2: {  	_ =	swait.ge [sflag:s7], $0x180  }
0xb3: {  	[sflag:s7] =	ssyncset.done $0x0  }
0xb4: {  	[sflag:s7] =	ssyncadd.s32 $0xFFFFFE80  }
0xb5: {  	_ =	swait.ge [sflag:s7], $0x180  }
0xb6: {  	[sflag:s7] =	ssyncset.done $0x0  }
0xb7: {  	[sflag:s7] =	ssyncadd.s32 $0xFFFFFE80  }
0xb8: {  	_ =	swait.ge [sflag:s7], $0x180  }
0xb9: {  	[sflag:s7] =	ssyncset.done $0x0  }
0xba: {  	[sflag:s7] =	ssyncadd.s32 $0xFFFFFE80  }
0xbb: {  	[hbm4b:s21+s6] =	stream.linear.scatter [tilespmem:s10], [sflag:$0x2], $0x180, $0x38;
	[tilespmem:$0x4500] =	vst v63  }
0xbc: {  	_ =	swait.ge [sflag:s5], $0x180  }
0xbd: {  	[sflag:s5] =	ssyncset.done $0x0  }
0xbe: {  	[sflag:s5] =	ssyncadd.s32 $0xFFFFFE80  }
0xbf: {  	[hbm4b:s4+s6] =	stream.linear.scatter [tilespmem:s8], [sflag:$0x2], $0x600, $0x38;
	[tilespmem:$0x4500] =	vst v63  }
0xc0: {  	p1 =	sne.s32 s1, $0x1;
	_ =	swait.ge [sflag:s5], $0x600  }
.Ltmp3:
0xc1: {  	[sflag:s5] =	ssyncset.done $0x0;
	(pc) =	sbr.rel @p1 .LBB2_4-.Ltmp3, $4  }
0xc2: {  	[sflag:s5] =	ssyncadd.s32 $0xFFFFFA00  }
0xc3: {  	[hbm4b:s3+s6] =	stream.linear.scatter [tilespmem:s9], [sflag:$0x2], $0x900, $0x38;
	[tilespmem:$0x4500] =	vst v63  }
0xc4: {  	_ =	swait.ge [sflag:s5], $0x900  }
0xc5: {  	s1 =	sadd.s32 $0xFFFFFFFF, s1;
	s0 =	rddreg [dreg:$0x6];
	[sflag:s5] =	ssyncset.done $0x0  }
0xc6: {  	s2 =	stileid.u32;
	s3 =	smov.u32 s4;
	s4 =	smov.u32 s21  }
0xc7: {  	s21 =	rddreg [dreg:$0x0];
	s11 =	simm.s32 $0x3D80;
	s22 =	simm.s32 $0x3F00  }
0xc8: {  	s23 =	simm.s32 $0x4080;
	s24 =	simm.s32 $0x4200;
	s25 =	simm.s32 $0x4380  }
0xc9: {  	s28 =	simm.s32 $0x3900;
	s29 =	simm.s32 $0x3A80;
	s30 =	simm.s32 $0x3780  }
.LBB2_6:
0xca: {  	[sflag:s5] =	ssyncadd.s32 @p0 $0xFFFFF700  }
0xcb: {  	[tilespmem:s6], [sflag:$0x2] =	stream.linear.gather [hbm4b:s0+s6], $0x1800, $0x38;
	[tilespmem:$0x4500] =	vst v63  }
0xcc: {  	_ =	swait.ge [sflag:s5], $0x1800  }
0xcd: {  	[sflag:s5] =	ssyncset.done $0x0  }
0xce: {  	s1 =	rddreg [dreg:$0x7];
	[sflag:s5] =	ssyncadd.s32 $0xFFFFE800  }
0xcf: {  	[tilespmem:s31], [sflag:$0x2] =	stream.linear.gather [hbm4b:s1+s6], $0x1800, $0x38;
	[tilespmem:$0x4500] =	vst v63  }
0xd0: {  	_ =	swait.ge [sflag:s5], $0x1800  }
0xd1: {  	[sflag:s5] =	ssyncset.done $0x0  }
0xd2: {  	[sflag:s5] =	ssyncadd.s32 $0xFFFFE800  }
0xd3: {  	[spmem:s18] =	stream.indirect.scatter [tilespmem:s31], [sflag:$0x1], $0x1, s6, s31, $0xb8;
	[tilespmem:$0x4500] =	vst v63  }
0xd4: {  	_ =	swait.ge [sflag:s7], $0x1800  }
0xd5: {  	[sflag:s7] =	ssyncset.done $0x0  }
0xd6: {  	[sflag:s7] =	ssyncadd.s32 $0xFFFFE800  }
0xd7: {  	[tilespmem:s26], [sflag:$0x2] =	stream.linear.gather [spmem:s18], $0x180, $0x38;
	[tilespmem:$0x4500] =	vst v63  }
0xd8: {  	_ =	swait.ge [sflag:s5], $0x180  }
0xd9: {  	[sflag:s5] =	ssyncset.done $0x0  }
0xda: {  	s1 =	rddreg [dreg:$0x8];
	[sflag:s5] =	ssyncadd.s32 $0xFFFFFE80  }
0xdb: {  	[tilespmem:s10], [sflag:$0x1] =	stream.indirect.gather [hbm4b:s1+s19], $0x1, s26, s19, $0xb8;
	[tilespmem:$0x4500] =	vst v63  }
0xdc: {  	_ = 	snop  }
0xdd: {  	[tilespmem:s20], [sflag:$0x1] =	stream.indirect.gather [hbm4b:s21+s19], $0x1, s26, s19, $0xb8;
	[tilespmem:$0x4500] =	vst v63  }
0xde: {  	s18 =	rddreg [dreg:$0x9]  }
0xdf: {  	[tilespmem:s8], [sflag:$0x1] =	stream.indirect.gather [hbm4b:s18+s19], $0x1, s26, s19, $0xb8;
	[tilespmem:$0x4500] =	vst v63  }
0xe0: {  	s1 =	rddreg [dreg:$0xa]  }
0xe1: {  	[tilespmem:s30], [sflag:$0x1] =	stream.indirect.gather [hbm4b:s1+s19], $0x1, s26, s19, $0xb8;
	[tilespmem:$0x4500] =	vst v63  }
0xe2: {  	s21 =	rddreg [dreg:$0xb]  }
0xe3: {  	[tilespmem:s28], [sflag:$0x1] =	stream.indirect.gather [hbm4b:s21+s19], $0x1, s26, s19, $0xb8;
	[tilespmem:$0x4500] =	vst v63  }
0xe4: {  	s30 =	rddreg [dreg:$0xc]  }
0xe5: {  	[tilespmem:s29], [sflag:$0x1] =	stream.indirect.gather [hbm4b:s30+s19], $0x1, s26, s19, $0xb8;
	[tilespmem:$0x4500] =	vst v63  }
0xe6: {  	_ =	swait.ge [sflag:s7], $0x180  }
0xe7: {  	[sflag:s7] =	ssyncset.done $0x0  }
0xe8: {  	[sflag:s7] =	ssyncadd.s32 $0xFFFFFE80  }
0xe9: {  	_ =	swait.ge [sflag:s7], $0x180  }
0xea: {  	[sflag:s7] =	ssyncset.done $0x0  }
0xeb: {  	[sflag:s7] =	ssyncadd.s32 $0xFFFFFE80  }
0xec: {  	_ =	swait.ge [sflag:s7], $0x180  }
0xed: {  	[sflag:s7] =	ssyncset.done $0x0  }
0xee: {  	[sflag:s7] =	ssyncadd.s32 $0xFFFFFE80  }
0xef: {  	_ =	swait.ge [sflag:s7], $0x180  }
0xf0: {  	[sflag:s7] =	ssyncset.done $0x0  }
0xf1: {  	[sflag:s7] =	ssyncadd.s32 $0xFFFFFE80  }
0xf2: {  	_ =	swait.ge [sflag:s7], $0x180  }
0xf3: {  	[sflag:s7] =	ssyncset.done $0x0  }
0xf4: {  	[sflag:s7] =	ssyncadd.s32 $0xFFFFFE80  }
0xf5: {  	_ =	swait.ge [sflag:s7], $0x180  }
0xf6: {  	[sflag:s7] =	ssyncset.done $0x0  }
0xf7: {  	[sflag:s7] =	ssyncadd.s32 $0xFFFFFE80  }
0xf8: {  	[tilespmem:s9], [sflag:$0x1] =	stream.indirect.gather [hbm4b:s12+s19], $0x1, s20, s19, $0xb8;
	[tilespmem:$0x4500] =	vst v63  }
0xf9: {  	_ = 	snop  }
0xfa: {  	[tilespmem:s11], [sflag:$0x1] =	stream.indirect.gather [hbm4b:s13+s19], $0x1, s20, s19, $0xb8;
	[tilespmem:$0x4500] =	vst v63  }
0xfb: {  	_ = 	snop  }
0xfc: {  	[tilespmem:s22], [sflag:$0x1] =	stream.indirect.gather [hbm4b:s14+s19], $0x1, s20, s19, $0xb8;
	[tilespmem:$0x4500] =	vst v63  }
0xfd: {  	_ = 	snop  }
0xfe: {  	[tilespmem:s23], [sflag:$0x1] =	stream.indirect.gather [hbm4b:s15+s19], $0x1, s20, s19, $0xb8;
	[tilespmem:$0x4500] =	vst v63  }
0xff: {  	_ = 	snop  }
0x100: {  	[tilespmem:s24], [sflag:$0x1] =	stream.indirect.gather [hbm4b:s16+s19], $0x1, s20, s19, $0xb8;
	[tilespmem:$0x4500] =	vst v63  }
0x101: {  	_ = 	snop  }
0x102: {  	[tilespmem:s25], [sflag:$0x1] =	stream.indirect.gather [hbm4b:s17+s19], $0x1, s20, s19, $0xb8;
	[tilespmem:$0x4500] =	vst v63  }
0x103: {  	_ =	swait.ge [sflag:s7], $0x180  }
0x104: {  	[sflag:s7] =	ssyncset.done $0x0  }
0x105: {  	[sflag:s7] =	ssyncadd.s32 $0xFFFFFE80  }
0x106: {  	_ =	swait.ge [sflag:s7], $0x180  }
0x107: {  	[sflag:s7] =	ssyncset.done $0x0  }
0x108: {  	[sflag:s7] =	ssyncadd.s32 $0xFFFFFE80  }
0x109: {  	_ =	swait.ge [sflag:s7], $0x180  }
0x10a: {  	[sflag:s7] =	ssyncset.done $0x0  }
0x10b: {  	[sflag:s7] =	ssyncadd.s32 $0xFFFFFE80  }
0x10c: {  	_ =	swait.ge [sflag:s7], $0x180  }
0x10d: {  	[sflag:s7] =	ssyncset.done $0x0  }
0x10e: {  	[sflag:s7] =	ssyncadd.s32 $0xFFFFFE80  }
0x10f: {  	_ =	swait.ge [sflag:s7], $0x180  }
0x110: {  	[sflag:s7] =	ssyncset.done $0x0  }
0x111: {  	[sflag:s7] =	ssyncadd.s32 $0xFFFFFE80  }
0x112: {  	_ =	swait.ge [sflag:s7], $0x180  }
0x113: {  	[sflag:s7] =	ssyncset.done $0x0  }
0x114: {  	[sflag:s7] =	ssyncadd.s32 $0xFFFFFE80  }
0x115: {  	[hbm4b:s4+s6] =	stream.linear.scatter [tilespmem:s10], [sflag:$0x2], $0x180, $0x38;
	[tilespmem:$0x4500] =	vst v63  }
0x116: {  	_ =	swait.ge [sflag:s5], $0x180  }
0x117: {  	[sflag:s5] =	ssyncset.done $0x0  }
0x118: {  	[sflag:s5] =	ssyncadd.s32 $0xFFFFFE80  }
0x119: {  	[hbm4b:s3+s6] =	stream.linear.scatter [tilespmem:s8], [sflag:$0x2], $0x600, $0x38;
	[tilespmem:$0x4500] =	vst v63  }
0x11a: {  	_ =	swait.ge [sflag:s5], $0x600  }
0x11b: {  	[sflag:s5] =	ssyncset.done $0x0  }
0x11c: {  	[sflag:s5] =	ssyncadd.s32 $0xFFFFFA00  }
0x11d: {  	s31 =	rddreg [dreg:$0x3]  }
0x11e: {  	[hbm4b:s31+s6] =	stream.linear.scatter [tilespmem:s9], [sflag:$0x2], $0x900, $0x38;
	[tilespmem:$0x4500] =	vst v63  }
0x11f: {  	_ =	swait.ge [sflag:s5], $0x900  }
0x120: {  	[sflag:s5] =	ssyncset.done $0x0  }
0x121: {  	[sflag:s5] =	ssyncadd.s32 $0xFFFFF700  }
0x122: {  	s6 =	rddreg [dreg:$0x5]  }
.LBB2_7:
0x123: {  	_ =	sfence.sel $0x180000  }
0x124: {  	[bflag:$0x0] =	sbarrier.arrive $0xFFFF  }
0x125: {  	p0 =	sne.s32 s2, $0x0;
	_ =	strace $0x9000004D  }
0x126: {  	s0 =	sadd.s32 @!p0 $0x100000, s6;
	[bflag:$0x2] =	sbarrier.arrive $0xFFFF  }
0x127: {  	[sflag:s0] =	ssyncadd.tile.s32 @!p0 $0x1;
	_ =	shalt  }
.LBB2_3:
.Ltmp4:
0x128: {  	(pc) =	sbr.rel .LBB2_6-.Ltmp4, $4  }
0x129: {  	s2 =	stileid.u32;
	s3 =	smov.u32 s4;
	s4 =	smov.u32 s21  }
0x12a: {  	s21 =	rddreg [dreg:$0x0];
	s11 =	simm.s32 $0x3D80;
	s22 =	simm.s32 $0x3F00  }
0x12b: {  	s23 =	simm.s32 $0x4080;
	s24 =	simm.s32 $0x4200;
	s25 =	simm.s32 $0x4380  }
0x12c: {  	s28 =	simm.s32 $0x3900;
	s29 =	simm.s32 $0x3A80;
	s30 =	simm.s32 $0x3780  }
.Lfunc_end2:
_tile_overlayer_lowered:
.L_overlay_start_2:
0x12d: {  	(tag) =	ssettag $0x2  }
0x12e: {  	s0 =	rddreg [dreg:$0x0];
	s2 =	stileid.u32  }
0x12f: {  	s1 =	rddreg [dreg:$0x1];
	p0 =	sne.s32 s2, $0x0  }
0x130: {  	s3 =	rddreg [dreg:$0x2];
	[bflag:$0x3] =	sbarrier.arrive $0xFFFF;
	s2 =	simm.s32 @!p0 $0x1C02  }
0x131: {  	[timem:s3], [sflag:s2] =	dma.local @!p0 [hbm:s0], s1  }
0x132: {  	s0 =	simm.s32 @!p0 $0x2  }
0x133: {  	_ =	swait.ge @!p0 [sflag:s0], s1  }
0x134: {  	s1 =	ssub.s32 @!p0 $0x0, s1;
	[sflag:s0] =	ssyncset.done @!p0 $0x0  }
0x135: {  	[sflag:s0] =	ssyncadd.s32 @!p0 s1  }
0x136: {  	[bflag:$0x3] =	sbarrier.arrive $0xFFFF  }
0x137: {  	_ =	shalt  }

</sc_bundles>
